<compile_context>
chip_gen: v7x
topology: tpu7x:2x2x1
jax: 0.10.2.dev20260603
libtpu: 0.0.44.dev20260713+nightly
codegen_flags: <defaults>
</compile_context>

<pallas_src>
import functools

import jax
import jax.numpy as jnp
from jax import lax
from jax.experimental import pallas as pl
from jax.experimental.pallas import tpu as pltpu
from jax.experimental.pallas import tpu_sc as plsc

VOCAB = 100000
EMB = 64
BATCH = 4096
FIELDS = 26

NC = 2
NS = 16
NW = NC * NS
E_PER_W = EMB // NW
GROUPS = BATCH // 16
XRING = 4

_mesh = plsc.VectorSubcoreMesh(core_axis_name="c", subcore_axis_name="s")


@functools.partial(
    pl.kernel,
    mesh=_mesh,
    out_type=jax.ShapeDtypeStruct((FIELDS, 8, 32, 8, 128), jnp.float32),
    compiler_params=pltpu.CompilerParams(
        use_tc_tiling_on_sc=False, needs_layout_passes=False
    ),
    scratch_types=[
        pltpu.VMEM((VOCAB,), jnp.float32),
        pltpu.VMEM((XRING, BATCH), jnp.int32),
        pltpu.VMEM((2, 32, 128), jnp.float32),
        pltpu.SemaphoreType.DMA((XRING,)),
        pltpu.SemaphoreType.DMA((2,)),
    ],
)
def _emb_gather(xT_hbm, tableT_hbm, outQ_hbm, erow_v, xr_v, ob_v,
                xsem, osem):
    cid = lax.axis_index("c")
    sid = lax.axis_index("s")
    wid = sid * NC + cid

    def xwait(slot):
        pltpu.make_async_copy(
            xT_hbm.at[0], xr_v.at[slot], xsem.at[slot]
        ).wait()

    def owait(slot):
        pltpu.make_async_copy(
            outQ_hbm.at[0, 0, :, 0], ob_v.at[slot], osem.at[slot]
        ).wait()

    def do_field(f, e, eb, k, xslot, oslot, first_store):
        xwait(xslot)
        if first_store is None:
            owait(oslot)
        else:
            @pl.when(first_store)
            def _():
                owait(oslot)
        @plsc.parallel_loop(0, GROUPS, unroll=8)
        def _gather(g):
            idx = xr_v[xslot, pl.ds(g * 16, 16)]
            ob_v[oslot, g // 8, pl.ds((g % 8) * 16, 16)] = plsc.load_gather(
                erow_v, [idx]
            )
        pltpu.async_copy(
            ob_v.at[oslot], outQ_hbm.at[f, eb, :, k], osem.at[oslot]
        )

        @pl.when(f < FIELDS - XRING)
        def _():
            pltpu.async_copy(
                xT_hbm.at[f + XRING], xr_v.at[xslot], xsem.at[xslot]
            )

    def ebody(es, carry):
        e = wid * E_PER_W + es
        eb = e // 8
        k = e % 8
        pltpu.sync_copy(tableT_hbm.at[e], erow_v)
        for slot in range(XRING):
            pltpu.async_copy(xT_hbm.at[slot], xr_v.at[slot], xsem.at[slot])

        def fbody(f4, carry2):
            for sub in range(XRING):
                f = f4 * XRING + sub
                oslot = sub % 2
                pred = (
                    jnp.logical_or(es > 0, f4 >= 1) if sub < 2 else None
                )
                do_field(f, e, eb, k, sub, oslot, pred)
            return carry2

        lax.fori_loop(0, FIELDS // XRING, fbody, 0)
        for sub in range(FIELDS % XRING):
            f_tail = FIELDS - (FIELDS % XRING) + sub
            do_field(f_tail, e, eb, k, sub, sub % 2, None)
        return carry

    lax.fori_loop(0, E_PER_W, ebody, 0)
    owait(0)
    owait(1)


def kernel(x, table):
    outQ = _emb_gather(x.T, table.T)
    return outQ.transpose(2, 4, 0, 1, 3).reshape(BATCH, FIELDS, EMB)

# --- scband reference (transcript-rebuilt; emitter-appended) ---
"""Pipeline reference for scband-embedding-28956669510091 (READ-ONLY COPY).

The authoritative reference and input builder live on the scoring server;
editing this copy changes nothing except your own understanding.
"""

import jax, jax.numpy as jnp
import numpy as np

VOCAB = 100000
EMB = 64
BATCH = 4096
FIELDS = 26

def setup_inputs(seed: int = 0) -> dict:
    key = jax.random.key(seed)
    k_idx, k_tab = jax.random.split(key)
    x = jax.random.randint(k_idx, (BATCH, FIELDS), 0, VOCAB, dtype=jnp.int64 if jax.config.jax_enable_x64 else jnp.int32)
    table = jax.random.normal(k_tab, (VOCAB, EMB), dtype=jnp.float32)
    return {"x": x, "table": table}

def reference(x, table):
    # nn.Embedding forward: row gather from the embedding table
    return jnp.take(table, x, axis=0)

if __name__ == "__main__":
    import jax
    _d = setup_inputs()
    print(jax.jit(kernel)(*tuple(_d.values())))

</pallas_src>

<mosaic_0001>
#map = affine_map<(d0, d1) -> (0, 0)>
#map1 = affine_map<(d0, d1) -> (0, 0, 0, 0, 0)>
module attributes {stable_mosaic.version = 14 : i64} {
  func.func @_emb_gather(%arg0: i32, %arg1: i32, %arg2: memref<26x4096xi32, #tpu.memory_space<hbm>>, %arg3: memref<64x100000xf32, #tpu.memory_space<hbm>>, %arg4: memref<26x8x32x8x128xf32, #tpu.memory_space<hbm>>, %arg5: memref<100000xf32, #tpu.memory_space<vmem>>, %arg6: memref<4x4096xi32, #tpu.memory_space<vmem>>, %arg7: memref<2x32x128xf32, #tpu.memory_space<vmem>>, %arg8: memref<4x!tpu.dma_semaphore, #tpu.memory_space<semaphore_mem>>, %arg9: memref<2x!tpu.dma_semaphore, #tpu.memory_space<semaphore_mem>>) attributes {dimension_semantics = [#tpu.dimension_semantics<core_parallel>, #tpu.dimension_semantics<subcore_parallel>], iteration_bounds = array<i64: 2, 16>, scalar_prefetch = 0 : i64, scratch_operands = 5 : i64, tpu.core_type = #tpu.core_type<sc_vector_subcore>, window_params = [{transform_indices = #map}, {transform_indices = #map}, {transform_indices = #map1}]} {
    %mul3A = arith.constant 2 : i32
    %mul3A_0 = arith.muli %arg1, %mul3A : i32
    %add3A = arith.addi %mul3A_0, %arg0 : i32
    %scan3A = arith.constant 0 : i32
    %scan3A_1 = arith.constant 0 : i32
    %scan3A_2 = arith.constant 2 : i32
    %scan3A_3 = arith.addi %scan3A_1, %scan3A_2 : i32
    %scan3A_4 = arith.constant 1 : i32
    scf.for %scan3A_51 = %scan3A_1 to %scan3A_3 step %scan3A_4  : i32 {
      %mul3A_52 = arith.constant 2 : i32
      %mul3A_53 = arith.muli %add3A, %mul3A_52 : i32
      %add3A_54 = arith.addi %mul3A_53, %scan3A_51 : i32
      %jit3A = arith.constant 8 : i32
      %div3A = arith.divsi %add3A_54, %jit3A : i32
      %sign3A = arith.constant 0 : i32
      %sign3A_55 = arith.cmpi sgt, %add3A_54, %sign3A : i32
      %sign3A_56 = arith.extui %sign3A_55 : i1 to i32
      %sign3A_57 = arith.constant 0 : i32
      %sign3A_58 = arith.cmpi slt, %add3A_54, %sign3A_57 : i32
      %sign3A_59 = arith.extui %sign3A_58 : i1 to i32
      %sign3A_60 = arith.subi %sign3A_56, %sign3A_59 : i32
      %sign3A_61 = arith.constant 0 : i32
      %sign3A_62 = arith.cmpi sgt, %jit3A, %sign3A_61 : i32
      %sign3A_63 = arith.extui %sign3A_62 : i1 to i32
      %sign3A_64 = arith.constant 0 : i32
      %sign3A_65 = arith.cmpi slt, %jit3A, %sign3A_64 : i32
      %sign3A_66 = arith.extui %sign3A_65 : i1 to i32
      %sign3A_67 = arith.subi %sign3A_63, %sign3A_66 : i32
      %ne3A = arith.cmpi ne, %sign3A_60, %sign3A_67 : i32
      %rem3A = arith.remsi %add3A_54, %jit3A : i32
      %ne3A_68 = arith.constant 0 : i32
      %ne3A_69 = arith.cmpi ne, %rem3A, %ne3A_68 : i32
      %and3A = arith.andi %ne3A, %ne3A_69 : i1
      %sub3A = arith.constant 1 : i32
      %sub3A_70 = arith.subi %div3A, %sub3A : i32
      %select_n3A = arith.select %and3A, %sub3A_70, %div3A : i32
      %jit3A_71 = arith.constant 8 : i32
      %eq3A = arith.constant 0 : i32
      %eq3A_72 = arith.cmpi eq, %jit3A_71, %eq3A : i32
      %jit3A_73 = arith.constant 1 : i32
      %select_n3A_74 = arith.select %eq3A_72, %jit3A_73, %jit3A_71 : i32
      %rem3A_75 = arith.remsi %add3A_54, %select_n3A_74 : i32
      %ne3A_76 = arith.constant 0 : i32
      %ne3A_77 = arith.cmpi ne, %rem3A_75, %ne3A_76 : i32
      %lt3A = arith.constant 0 : i32
      %lt3A_78 = arith.cmpi slt, %rem3A_75, %lt3A : i32
      %lt3A_79 = arith.constant 0 : i32
      %lt3A_80 = arith.cmpi slt, %select_n3A_74, %lt3A_79 : i32
      %ne3A_81 = arith.xori %lt3A_78, %lt3A_80 : i1
      %and3A_82 = arith.andi %ne3A_81, %ne3A_77 : i1
      %add3A_83 = arith.addi %rem3A_75, %select_n3A_74 : i32
      %select_n3A_84 = arith.select %and3A_82, %add3A_83, %rem3A_75 : i32
      "tpu.region"() ({
        %run_scoped3A = tpu.sem_alloc : memref<!tpu.dma_semaphore, #tpu.memory_space<semaphore_mem>>
        %dma_start3A_285 = arith.constant 0 : i32
        %dma_start3A_286 = tpu.memref_slice %arg3[%add3A_54, %dma_start3A_285] : memref<64x100000xf32, #tpu.memory_space<hbm>> -> memref<1x100000xf32, #tpu.memory_space<hbm>>
        %dma_start3A_287 = tpu.memref_squeeze %dma_start3A_286 : memref<1x100000xf32, #tpu.memory_space<hbm>> -> memref<100000xf32, #tpu.memory_space<hbm>>
        %dma_start3A_288 = arith.constant 0 : i32
        %dma_start3A_289 = tpu.memref_slice %arg3[%add3A_54, %dma_start3A_288] : memref<64x100000xf32, #tpu.memory_space<hbm>> -> memref<1x100000xf32, #tpu.memory_space<hbm>>
        %dma_start3A_290 = tpu.memref_squeeze %dma_start3A_289 : memref<1x100000xf32, #tpu.memory_space<hbm>> -> memref<100000xf32, #tpu.memory_space<hbm>>
        tpu.enqueue_dma source(%dma_start3A_290 : memref<100000xf32, #tpu.memory_space<hbm>>) target(%arg5 : memref<100000xf32, #tpu.memory_space<vmem>>) target_semaphore(%run_scoped3A : memref<!tpu.dma_semaphore, #tpu.memory_space<semaphore_mem>>)
        %dma_wait3A_291 = arith.constant 0 : i32
        %dma_wait3A_292 = tpu.memref_slice %arg3[%add3A_54, %dma_wait3A_291] : memref<64x100000xf32, #tpu.memory_space<hbm>> -> memref<1x100000xf32, #tpu.memory_space<hbm>>
        %dma_wait3A_293 = tpu.memref_squeeze %dma_wait3A_292 : memref<1x100000xf32, #tpu.memory_space<hbm>> -> memref<100000xf32, #tpu.memory_space<hbm>>
        %dma_wait3A_294 = arith.constant 0 : i32
        %dma_wait3A_295 = tpu.memref_slice %arg3[%add3A_54, %dma_wait3A_294] : memref<64x100000xf32, #tpu.memory_space<hbm>> -> memref<1x100000xf32, #tpu.memory_space<hbm>>
        %dma_wait3A_296 = tpu.memref_squeeze %dma_wait3A_295 : memref<1x100000xf32, #tpu.memory_space<hbm>> -> memref<100000xf32, #tpu.memory_space<hbm>>
        tpu.wait_dma2 semaphore(%run_scoped3A : memref<!tpu.dma_semaphore, #tpu.memory_space<semaphore_mem>>) src(%dma_wait3A_296 : memref<100000xf32, #tpu.memory_space<hbm>>) dst(%arg5 : memref<100000xf32, #tpu.memory_space<vmem>>)
        tpu.yield
      }) : () -> ()
      %dma_start3A = arith.constant 0 : i32
      %dma_start3A_85 = arith.constant 0 : i32
      %dma_start3A_86 = arith.constant 0 : i32
      %dma_start3A_87 = arith.constant 0 : i32
      %dma_start3A_88 = tpu.memref_slice %arg6[%dma_start3A_85, %dma_start3A_87] : memref<4x4096xi32, #tpu.memory_space<vmem>> -> memref<1x4096xi32, #tpu.memory_space<vmem>>
      %dma_start3A_89 = tpu.memref_squeeze %dma_start3A_88 : memref<1x4096xi32, #tpu.memory_space<vmem>> -> memref<4096xi32, #tpu.memory_space<vmem>>
      %dma_start3A_90 = arith.constant 0 : i32
      %dma_start3A_91 = tpu.memref_slice %arg2[%dma_start3A, %dma_start3A_90] : memref<26x4096xi32, #tpu.memory_space<hbm>> -> memref<1x4096xi32, #tpu.memory_space<hbm>>
      %dma_start3A_92 = tpu.memref_squeeze %dma_start3A_91 : memref<1x4096xi32, #tpu.memory_space<hbm>> -> memref<4096xi32, #tpu.memory_space<hbm>>
      %dma_start3A_93 = tpu.memref_slice %arg8[%dma_start3A_86] : memref<4x!tpu.dma_semaphore, #tpu.memory_space<semaphore_mem>> -> memref<1x!tpu.dma_semaphore, #tpu.memory_space<semaphore_mem>>
      %dma_start3A_94 = tpu.memref_squeeze %dma_start3A_93 : memref<1x!tpu.dma_semaphore, #tpu.memory_space<semaphore_mem>> -> memref<!tpu.dma_semaphore, #tpu.memory_space<semaphore_mem>>
      %dma_start3A_95 = arith.constant 0 : i32
      %dma_start3A_96 = tpu.memref_slice %arg6[%dma_start3A_85, %dma_start3A_95] : memref<4x4096xi32, #tpu.memory_space<vmem>> -> memref<1x4096xi32, #tpu.memory_space<vmem>>
      %dma_start3A_97 = tpu.memref_squeeze %dma_start3A_96 : memref<1x4096xi32, #tpu.memory_space<vmem>> -> memref<4096xi32, #tpu.memory_space<vmem>>
      %dma_start3A_98 = arith.constant 0 : i32
      %dma_start3A_99 = tpu.memref_slice %arg2[%dma_start3A, %dma_start3A_98] : memref<26x4096xi32, #tpu.memory_space<hbm>> -> memref<1x4096xi32, #tpu.memory_space<hbm>>
      %dma_start3A_100 = tpu.memref_squeeze %dma_start3A_99 : memref<1x4096xi32, #tpu.memory_space<hbm>> -> memref<4096xi32, #tpu.memory_space<hbm>>
      tpu.enqueue_dma source(%dma_start3A_100 : memref<4096xi32, #tpu.memory_space<hbm>>) target(%dma_start3A_97 : memref<4096xi32, #tpu.memory_space<vmem>>) target_semaphore(%dma_start3A_94 : memref<!tpu.dma_semaphore, #tpu.memory_space<semaphore_mem>>)
      %dma_start3A_101 = arith.constant 1 : i32
      %dma_start3A_102 = arith.constant 1 : i32
      %dma_start3A_103 = arith.constant 1 : i32
      %dma_start3A_104 = arith.constant 0 : i32
      %dma_start3A_105 = tpu.memref_slice %arg6[%dma_start3A_102, %dma_start3A_104] : memref<4x4096xi32, #tpu.memory_space<vmem>> -> memref<1x4096xi32, #tpu.memory_space<vmem>>
      %dma_start3A_106 = tpu.memref_squeeze %dma_start3A_105 : memref<1x4096xi32, #tpu.memory_space<vmem>> -> memref<4096xi32, #tpu.memory_space<vmem>>
      %dma_start3A_107 = arith.constant 0 : i32
      %dma_start3A_108 = tpu.memref_slice %arg2[%dma_start3A_101, %dma_start3A_107] : memref<26x4096xi32, #tpu.memory_space<hbm>> -> memref<1x4096xi32, #tpu.memory_space<hbm>>
      %dma_start3A_109 = tpu.memref_squeeze %dma_start3A_108 : memref<1x4096xi32, #tpu.memory_space<hbm>> -> memref<4096xi32, #tpu.memory_space<hbm>>
      %dma_start3A_110 = tpu.memref_slice %arg8[%dma_start3A_103] : memref<4x!tpu.dma_semaphore, #tpu.memory_space<semaphore_mem>> -> memref<1x!tpu.dma_semaphore, #tpu.memory_space<semaphore_mem>>
      %dma_start3A_111 = tpu.memref_squeeze %dma_start3A_110 : memref<1x!tpu.dma_semaphore, #tpu.memory_space<semaphore_mem>> -> memref<!tpu.dma_semaphore, #tpu.memory_space<semaphore_mem>>
      %dma_start3A_112 = arith.constant 0 : i32
      %dma_start3A_113 = tpu.memref_slice %arg6[%dma_start3A_102, %dma_start3A_112] : memref<4x4096xi32, #tpu.memory_space<vmem>> -> memref<1x4096xi32, #tpu.memory_space<vmem>>
      %dma_start3A_114 = tpu.memref_squeeze %dma_start3A_113 : memref<1x4096xi32, #tpu.memory_space<vmem>> -> memref<4096xi32, #tpu.memory_space<vmem>>
      %dma_start3A_115 = arith.constant 0 : i32
      %dma_start3A_116 = tpu.memref_slice %arg2[%dma_start3A_101, %dma_start3A_115] : memref<26x4096xi32, #tpu.memory_space<hbm>> -> memref<1x4096xi32, #tpu.memory_space<hbm>>
      %dma_start3A_117 = tpu.memref_squeeze %dma_start3A_116 : memref<1x4096xi32, #tpu.memory_space<hbm>> -> memref<4096xi32, #tpu.memory_space<hbm>>
      tpu.enqueue_dma source(%dma_start3A_117 : memref<4096xi32, #tpu.memory_space<hbm>>) target(%dma_start3A_114 : memref<4096xi32, #tpu.memory_space<vmem>>) target_semaphore(%dma_start3A_111 : memref<!tpu.dma_semaphore, #tpu.memory_space<semaphore_mem>>)
      %dma_start3A_118 = arith.constant 2 : i32
      %dma_start3A_119 = arith.constant 2 : i32
      %dma_start3A_120 = arith.constant 2 : i32
      %dma_start3A_121 = arith.constant 0 : i32
      %dma_start3A_122 = tpu.memref_slice %arg6[%dma_start3A_119, %dma_start3A_121] : memref<4x4096xi32, #tpu.memory_space<vmem>> -> memref<1x4096xi32, #tpu.memory_space<vmem>>
      %dma_start3A_123 = tpu.memref_squeeze %dma_start3A_122 : memref<1x4096xi32, #tpu.memory_space<vmem>> -> memref<4096xi32, #tpu.memory_space<vmem>>
      %dma_start3A_124 = arith.constant 0 : i32
      %dma_start3A_125 = tpu.memref_slice %arg2[%dma_start3A_118, %dma_start3A_124] : memref<26x4096xi32, #tpu.memory_space<hbm>> -> memref<1x4096xi32, #tpu.memory_space<hbm>>
      %dma_start3A_126 = tpu.memref_squeeze %dma_start3A_125 : memref<1x4096xi32, #tpu.memory_space<hbm>> -> memref<4096xi32, #tpu.memory_space<hbm>>
      %dma_start3A_127 = tpu.memref_slice %arg8[%dma_start3A_120] : memref<4x!tpu.dma_semaphore, #tpu.memory_space<semaphore_mem>> -> memref<1x!tpu.dma_semaphore, #tpu.memory_space<semaphore_mem>>
      %dma_start3A_128 = tpu.memref_squeeze %dma_start3A_127 : memref<1x!tpu.dma_semaphore, #tpu.memory_space<semaphore_mem>> -> memref<!tpu.dma_semaphore, #tpu.memory_space<semaphore_mem>>
      %dma_start3A_129 = arith.constant 0 : i32
      %dma_start3A_130 = tpu.memref_slice %arg6[%dma_start3A_119, %dma_start3A_129] : memref<4x4096xi32, #tpu.memory_space<vmem>> -> memref<1x4096xi32, #tpu.memory_space<vmem>>
      %dma_start3A_131 = tpu.memref_squeeze %dma_start3A_130 : memref<1x4096xi32, #tpu.memory_space<vmem>> -> memref<4096xi32, #tpu.memory_space<vmem>>
      %dma_start3A_132 = arith.constant 0 : i32
      %dma_start3A_133 = tpu.memref_slice %arg2[%dma_start3A_118, %dma_start3A_132] : memref<26x4096xi32, #tpu.memory_space<hbm>> -> memref<1x4096xi32, #tpu.memory_space<hbm>>
      %dma_start3A_134 = tpu.memref_squeeze %dma_start3A_133 : memref<1x4096xi32, #tpu.memory_space<hbm>> -> memref<4096xi32, #tpu.memory_space<hbm>>
      tpu.enqueue_dma source(%dma_start3A_134 : memref<4096xi32, #tpu.memory_space<hbm>>) target(%dma_start3A_131 : memref<4096xi32, #tpu.memory_space<vmem>>) target_semaphore(%dma_start3A_128 : memref<!tpu.dma_semaphore, #tpu.memory_space<semaphore_mem>>)
      %dma_start3A_135 = arith.constant 3 : i32
      %dma_start3A_136 = arith.constant 3 : i32
      %dma_start3A_137 = arith.constant 3 : i32
      %dma_start3A_138 = arith.constant 0 : i32
      %dma_start3A_139 = tpu.memref_slice %arg6[%dma_start3A_136, %dma_start3A_138] : memref<4x4096xi32, #tpu.memory_space<vmem>> -> memref<1x4096xi32, #tpu.memory_space<vmem>>
      %dma_start3A_140 = tpu.memref_squeeze %dma_start3A_139 : memref<1x4096xi32, #tpu.memory_space<vmem>> -> memref<4096xi32, #tpu.memory_space<vmem>>
      %dma_start3A_141 = arith.constant 0 : i32
      %dma_start3A_142 = tpu.memref_slice %arg2[%dma_start3A_135, %dma_start3A_141] : memref<26x4096xi32, #tpu.memory_space<hbm>> -> memref<1x4096xi32, #tpu.memory_space<hbm>>
      %dma_start3A_143 = tpu.memref_squeeze %dma_start3A_142 : memref<1x4096xi32, #tpu.memory_space<hbm>> -> memref<4096xi32, #tpu.memory_space<hbm>>
      %dma_start3A_144 = tpu.memref_slice %arg8[%dma_start3A_137] : memref<4x!tpu.dma_semaphore, #tpu.memory_space<semaphore_mem>> -> memref<1x!tpu.dma_semaphore, #tpu.memory_space<semaphore_mem>>
      %dma_start3A_145 = tpu.memref_squeeze %dma_start3A_144 : memref<1x!tpu.dma_semaphore, #tpu.memory_space<semaphore_mem>> -> memref<!tpu.dma_semaphore, #tpu.memory_space<semaphore_mem>>
      %dma_start3A_146 = arith.constant 0 : i32
      %dma_start3A_147 = tpu.memref_slice %arg6[%dma_start3A_136, %dma_start3A_146] : memref<4x4096xi32, #tpu.memory_space<vmem>> -> memref<1x4096xi32, #tpu.memory_space<vmem>>
      %dma_start3A_148 = tpu.memref_squeeze %dma_start3A_147 : memref<1x4096xi32, #tpu.memory_space<vmem>> -> memref<4096xi32, #tpu.memory_space<vmem>>
      %dma_start3A_149 = arith.constant 0 : i32
      %dma_start3A_150 = tpu.memref_slice %arg2[%dma_start3A_135, %dma_start3A_149] : memref<26x4096xi32, #tpu.memory_space<hbm>> -> memref<1x4096xi32, #tpu.memory_space<hbm>>
      %dma_start3A_151 = tpu.memref_squeeze %dma_start3A_150 : memref<1x4096xi32, #tpu.memory_space<hbm>> -> memref<4096xi32, #tpu.memory_space<hbm>>
      tpu.enqueue_dma source(%dma_start3A_151 : memref<4096xi32, #tpu.memory_space<hbm>>) target(%dma_start3A_148 : memref<4096xi32, #tpu.memory_space<vmem>>) target_semaphore(%dma_start3A_145 : memref<!tpu.dma_semaphore, #tpu.memory_space<semaphore_mem>>)
      %scan3A_152 = arith.constant 0 : i32
      %scan3A_153 = arith.constant 0 : i32
      %scan3A_154 = arith.constant 6 : i32
      %scan3A_155 = arith.addi %scan3A_153, %scan3A_154 : i32
      %scan3A_156 = arith.constant 1 : i32
      scf.for %scan3A_285 = %scan3A_153 to %scan3A_155 step %scan3A_156  : i32 {
        %mul3A_286 = arith.constant 4 : i32
        %mul3A_287 = arith.muli %scan3A_285, %mul3A_286 : i32
        %add3A_288 = arith.constant 0 : i32
        %add3A_289 = arith.addi %mul3A_287, %add3A_288 : i32
        %gt3A = arith.constant 0 : i32
        %gt3A_290 = arith.cmpi sgt, %scan3A_51, %gt3A : i32
        %ge3A = arith.constant 1 : i32
        %ge3A_291 = arith.cmpi sge, %scan3A_285, %ge3A : i32
        %or3A = arith.ori %gt3A_290, %ge3A_291 : i1
        %dma_wait3A_292 = arith.constant 0 : i32
        %dma_wait3A_293 = arith.constant 0 : i32
        %dma_wait3A_294 = arith.constant 0 : i32
        %dma_wait3A_295 = arith.constant 0 : i32
        %dma_wait3A_296 = tpu.memref_slice %arg6[%dma_wait3A_293, %dma_wait3A_295] : memref<4x4096xi32, #tpu.memory_space<vmem>> -> memref<1x4096xi32, #tpu.memory_space<vmem>>
        %dma_wait3A_297 = tpu.memref_squeeze %dma_wait3A_296 : memref<1x4096xi32, #tpu.memory_space<vmem>> -> memref<4096xi32, #tpu.memory_space<vmem>>
        %dma_wait3A_298 = arith.constant 0 : i32
        %dma_wait3A_299 = tpu.memref_slice %arg2[%dma_wait3A_292, %dma_wait3A_298] : memref<26x4096xi32, #tpu.memory_space<hbm>> -> memref<1x4096xi32, #tpu.memory_space<hbm>>
        %dma_wait3A_300 = tpu.memref_squeeze %dma_wait3A_299 : memref<1x4096xi32, #tpu.memory_space<hbm>> -> memref<4096xi32, #tpu.memory_space<hbm>>
        %dma_wait3A_301 = tpu.memref_slice %arg8[%dma_wait3A_294] : memref<4x!tpu.dma_semaphore, #tpu.memory_space<semaphore_mem>> -> memref<1x!tpu.dma_semaphore, #tpu.memory_space<semaphore_mem>>
        %dma_wait3A_302 = tpu.memref_squeeze %dma_wait3A_301 : memref<1x!tpu.dma_semaphore, #tpu.memory_space<semaphore_mem>> -> memref<!tpu.dma_semaphore, #tpu.memory_space<semaphore_mem>>
        %dma_wait3A_303 = arith.constant 0 : i32
        %dma_wait3A_304 = tpu.memref_slice %arg6[%dma_wait3A_293, %dma_wait3A_303] : memref<4x4096xi32, #tpu.memory_space<vmem>> -> memref<1x4096xi32, #tpu.memory_space<vmem>>
        %dma_wait3A_305 = tpu.memref_squeeze %dma_wait3A_304 : memref<1x4096xi32, #tpu.memory_space<vmem>> -> memref<4096xi32, #tpu.memory_space<vmem>>
        %dma_wait3A_306 = arith.constant 0 : i32
        %dma_wait3A_307 = tpu.memref_slice %arg2[%dma_wait3A_292, %dma_wait3A_306] : memref<26x4096xi32, #tpu.memory_space<hbm>> -> memref<1x4096xi32, #tpu.memory_space<hbm>>
        %dma_wait3A_308 = tpu.memref_squeeze %dma_wait3A_307 : memref<1x4096xi32, #tpu.memory_space<hbm>> -> memref<4096xi32, #tpu.memory_space<hbm>>
        tpu.wait_dma2 semaphore(%dma_wait3A_302 : memref<!tpu.dma_semaphore, #tpu.memory_space<semaphore_mem>>) src(%dma_wait3A_308 : memref<4096xi32, #tpu.memory_space<hbm>>) dst(%dma_wait3A_305 : memref<4096xi32, #tpu.memory_space<vmem>>)
        %convert_element_type3A = arith.extui %or3A : i1 to i32
        %cond3A = arith.constant 0 : i32
        %cond3A_309 = arith.cmpi ne, %convert_element_type3A, %cond3A : i32
        scf.if %cond3A_309 {
          %dma_wait3A_539 = arith.constant 0 : i32
          %dma_wait3A_540 = arith.constant 0 : i32
          %dma_wait3A_541 = arith.constant 0 : i32
          %dma_wait3A_542 = arith.constant 0 : i32
          %dma_wait3A_543 = arith.constant 0 : i32
          %dma_wait3A_544 = arith.constant 0 : i32
          %dma_wait3A_545 = arith.constant 0 : i32
          %dma_wait3A_546 = tpu.memref_slice %arg7[%dma_wait3A_542, %dma_wait3A_544, %dma_wait3A_545] : memref<2x32x128xf32, #tpu.memory_space<vmem>> -> memref<1x32x128xf32, #tpu.memory_space<vmem>>
          %dma_wait3A_547 = tpu.memref_squeeze %dma_wait3A_546 : memref<1x32x128xf32, #tpu.memory_space<vmem>> -> memref<32x128xf32, #tpu.memory_space<vmem>>
          %dma_wait3A_548 = arith.constant 0 : i32
          %dma_wait3A_549 = arith.constant 0 : i32
          %dma_wait3A_550 = tpu.memref_slice %arg4[%dma_wait3A_539, %dma_wait3A_540, %dma_wait3A_548, %dma_wait3A_541, %dma_wait3A_549] : memref<26x8x32x8x128xf32, #tpu.memory_space<hbm>> -> memref<1x1x32x1x128xf32, #tpu.memory_space<hbm>>
          %dma_wait3A_551 = tpu.memref_squeeze %dma_wait3A_550 : memref<1x1x32x1x128xf32, #tpu.memory_space<hbm>> -> memref<32x128xf32, #tpu.memory_space<hbm>>
          %dma_wait3A_552 = tpu.memref_slice %arg9[%dma_wait3A_543] : memref<2x!tpu.dma_semaphore, #tpu.memory_space<semaphore_mem>> -> memref<1x!tpu.dma_semaphore, #tpu.memory_space<semaphore_mem>>
          %dma_wait3A_553 = tpu.memref_squeeze %dma_wait3A_552 : memref<1x!tpu.dma_semaphore, #tpu.memory_space<semaphore_mem>> -> memref<!tpu.dma_semaphore, #tpu.memory_space<semaphore_mem>>
          %dma_wait3A_554 = arith.constant 0 : i32
          %dma_wait3A_555 = arith.constant 0 : i32
          %dma_wait3A_556 = tpu.memref_slice %arg7[%dma_wait3A_542, %dma_wait3A_554, %dma_wait3A_555] : memref<2x32x128xf32, #tpu.memory_space<vmem>> -> memref<1x32x128xf32, #tpu.memory_space<vmem>>
          %dma_wait3A_557 = tpu.memref_squeeze %dma_wait3A_556 : memref<1x32x128xf32, #tpu.memory_space<vmem>> -> memref<32x128xf32, #tpu.memory_space<vmem>>
          %dma_wait3A_558 = arith.constant 0 : i32
          %dma_wait3A_559 = arith.constant 0 : i32
          %dma_wait3A_560 = tpu.memref_slice %arg4[%dma_wait3A_539, %dma_wait3A_540, %dma_wait3A_558, %dma_wait3A_541, %dma_wait3A_559] : memref<26x8x32x8x128xf32, #tpu.memory_space<hbm>> -> memref<1x1x32x1x128xf32, #tpu.memory_space<hbm>>
          %dma_wait3A_561 = tpu.memref_squeeze %dma_wait3A_560 : memref<1x1x32x1x128xf32, #tpu.memory_space<hbm>> -> memref<32x128xf32, #tpu.memory_space<hbm>>
          tpu.wait_dma2 semaphore(%dma_wait3A_553 : memref<!tpu.dma_semaphore, #tpu.memory_space<semaphore_mem>>) src(%dma_wait3A_561 : memref<32x128xf32, #tpu.memory_space<hbm>>) dst(%dma_wait3A_557 : memref<32x128xf32, #tpu.memory_space<vmem>>)
        } else {
        }
        %parallel_loop3A_310 = arith.constant 0 : i32
        %parallel_loop3A_311 = arith.constant 256 : i32
        %parallel_loop3A_312 = arith.constant 1 : i32
        scf.for %parallel_loop3A_539 = %parallel_loop3A_310 to %parallel_loop3A_311 step %parallel_loop3A_312  : i32 {
          %parallel_loop3A_540 = arith.constant 16 : i32
          %parallel_loop3A_541 = arith.muli %parallel_loop3A_539, %parallel_loop3A_540 : i32
          %parallel_loop3A_542 = arith.constant 0 : i32
          %parallel_loop3A_543 = arith.index_cast %parallel_loop3A_542 : i32 to index
          %parallel_loop3A_544 = arith.index_cast %parallel_loop3A_541 : i32 to index
          %parallel_loop3A_545 = tpu.vector_load %arg6[%parallel_loop3A_543, %parallel_loop3A_544] {strides = array<i32>} : memref<4x4096xi32, #tpu.memory_space<vmem>>, vector<16xi32>,
          %parallel_loop3A_546 = tpu.vector_load_idx %arg5[%parallel_loop3A_545] : memref<100000xf32, #tpu.memory_space<vmem>>[vector<16xi32>], vector<16xf32>,
          %parallel_loop3A_547 = arith.constant 8 : i32
          %parallel_loop3A_548 = arith.divsi %parallel_loop3A_539, %parallel_loop3A_547 : i32
          %parallel_loop3A_549 = arith.constant 0 : i32
          %parallel_loop3A_550 = arith.cmpi sgt, %parallel_loop3A_539, %parallel_loop3A_549 : i32
          %parallel_loop3A_551 = arith.extui %parallel_loop3A_550 : i1 to i32
          %parallel_loop3A_552 = arith.constant 0 : i32
          %parallel_loop3A_553 = arith.cmpi slt, %parallel_loop3A_539, %parallel_loop3A_552 : i32
          %parallel_loop3A_554 = arith.extui %parallel_loop3A_553 : i1 to i32
          %parallel_loop3A_555 = arith.subi %parallel_loop3A_551, %parallel_loop3A_554 : i32
          %parallel_loop3A_556 = arith.constant 0 : i32
          %parallel_loop3A_557 = arith.cmpi sgt, %parallel_loop3A_547, %parallel_loop3A_556 : i32
          %parallel_loop3A_558 = arith.extui %parallel_loop3A_557 : i1 to i32
          %parallel_loop3A_559 = arith.constant 0 : i32
          %parallel_loop3A_560 = arith.cmpi slt, %parallel_loop3A_547, %parallel_loop3A_559 : i32
          %parallel_loop3A_561 = arith.extui %parallel_loop3A_560 : i1 to i32
          %parallel_loop3A_562 = arith.subi %parallel_loop3A_558, %parallel_loop3A_561 : i32
          %parallel_loop3A_563 = arith.cmpi ne, %parallel_loop3A_555, %parallel_loop3A_562 : i32
          %parallel_loop3A_564 = arith.remsi %parallel_loop3A_539, %parallel_loop3A_547 : i32
          %parallel_loop3A_565 = arith.constant 0 : i32
          %parallel_loop3A_566 = arith.cmpi ne, %parallel_loop3A_564, %parallel_loop3A_565 : i32
          %parallel_loop3A_567 = arith.andi %parallel_loop3A_563, %parallel_loop3A_566 : i1
          %parallel_loop3A_568 = arith.constant 1 : i32
          %parallel_loop3A_569 = arith.subi %parallel_loop3A_548, %parallel_loop3A_568 : i32
          %parallel_loop3A_570 = arith.select %parallel_loop3A_567, %parallel_loop3A_569, %parallel_loop3A_548 : i32
          %parallel_loop3A_571 = arith.constant 8 : i32
          %parallel_loop3A_572 = arith.constant 0 : i32
          %parallel_loop3A_573 = arith.cmpi eq, %parallel_loop3A_571, %parallel_loop3A_572 : i32
          %parallel_loop3A_574 = arith.constant 1 : i32
          %parallel_loop3A_575 = arith.select %parallel_loop3A_573, %parallel_loop3A_574, %parallel_loop3A_571 : i32
          %parallel_loop3A_576 = arith.remsi %parallel_loop3A_539, %parallel_loop3A_575 : i32
          %parallel_loop3A_577 = arith.constant 0 : i32
          %parallel_loop3A_578 = arith.cmpi ne, %parallel_loop3A_576, %parallel_loop3A_577 : i32
          %parallel_loop3A_579 = arith.constant 0 : i32
          %parallel_loop3A_580 = arith.cmpi slt, %parallel_loop3A_576, %parallel_loop3A_579 : i32
          %parallel_loop3A_581 = arith.constant 0 : i32
          %parallel_loop3A_582 = arith.cmpi slt, %parallel_loop3A_575, %parallel_loop3A_581 : i32
          %parallel_loop3A_583 = arith.xori %parallel_loop3A_580, %parallel_loop3A_582 : i1
          %parallel_loop3A_584 = arith.andi %parallel_loop3A_583, %parallel_loop3A_578 : i1
          %parallel_loop3A_585 = arith.addi %parallel_loop3A_576, %parallel_loop3A_575 : i32
          %parallel_loop3A_586 = arith.select %parallel_loop3A_584, %parallel_loop3A_585, %parallel_loop3A_576 : i32
          %parallel_loop3A_587 = arith.constant 16 : i32
          %parallel_loop3A_588 = arith.muli %parallel_loop3A_586, %parallel_loop3A_587 : i32
          %parallel_loop3A_589 = arith.constant 0 : i32
          %parallel_loop3A_590 = arith.index_cast %parallel_loop3A_589 : i32 to index
          %parallel_loop3A_591 = arith.index_cast %parallel_loop3A_570 : i32 to index
          %parallel_loop3A_592 = arith.index_cast %parallel_loop3A_588 : i32 to index
          %parallel_loop3A_593 = tpu.vector_load %arg7[%parallel_loop3A_590, %parallel_loop3A_591, %parallel_loop3A_592] {strides = array<i32>} : memref<2x32x128xf32, #tpu.memory_space<vmem>>, vector<16xf32>,
          tpu.vector_store %arg7[%parallel_loop3A_590, %parallel_loop3A_591, %parallel_loop3A_592], %parallel_loop3A_546 {strides = array<i32>} : memref<2x32x128xf32, #tpu.memory_space<vmem>>, vector<16xf32>,
        } {sc.loop_unroll_factor = 8 : i64, sc.parallel_access}
        %dma_start3A_313 = arith.constant 0 : i32
        %dma_start3A_314 = arith.constant 0 : i32
        %dma_start3A_315 = arith.constant 0 : i32
        %dma_start3A_316 = arith.constant 0 : i32
        %dma_start3A_317 = tpu.memref_slice %arg7[%dma_start3A_313, %dma_start3A_315, %dma_start3A_316] : memref<2x32x128xf32, #tpu.memory_space<vmem>> -> memref<1x32x128xf32, #tpu.memory_space<vmem>>
        %dma_start3A_318 = tpu.memref_squeeze %dma_start3A_317 : memref<1x32x128xf32, #tpu.memory_space<vmem>> -> memref<32x128xf32, #tpu.memory_space<vmem>>
        %dma_start3A_319 = arith.constant 0 : i32
        %dma_start3A_320 = arith.constant 0 : i32
        %dma_start3A_321 = tpu.memref_slice %arg4[%add3A_289, %select_n3A, %dma_start3A_319, %select_n3A_84, %dma_start3A_320] : memref<26x8x32x8x128xf32, #tpu.memory_space<hbm>> -> memref<1x1x32x1x128xf32, #tpu.memory_space<hbm>>
        %dma_start3A_322 = tpu.memref_squeeze %dma_start3A_321 : memref<1x1x32x1x128xf32, #tpu.memory_space<hbm>> -> memref<32x128xf32, #tpu.memory_space<hbm>>
        %dma_start3A_323 = tpu.memref_slice %arg9[%dma_start3A_314] : memref<2x!tpu.dma_semaphore, #tpu.memory_space<semaphore_mem>> -> memref<1x!tpu.dma_semaphore, #tpu.memory_space<semaphore_mem>>
        %dma_start3A_324 = tpu.memref_squeeze %dma_start3A_323 : memref<1x!tpu.dma_semaphore, #tpu.memory_space<semaphore_mem>> -> memref<!tpu.dma_semaphore, #tpu.memory_space<semaphore_mem>>
        %dma_start3A_325 = arith.constant 0 : i32
        %dma_start3A_326 = arith.constant 0 : i32
        %dma_start3A_327 = tpu.memref_slice %arg4[%add3A_289, %select_n3A, %dma_start3A_325, %select_n3A_84, %dma_start3A_326] : memref<26x8x32x8x128xf32, #tpu.memory_space<hbm>> -> memref<1x1x32x1x128xf32, #tpu.memory_space<hbm>>
        %dma_start3A_328 = tpu.memref_squeeze %dma_start3A_327 : memref<1x1x32x1x128xf32, #tpu.memory_space<hbm>> -> memref<32x128xf32, #tpu.memory_space<hbm>>
        %dma_start3A_329 = arith.constant 0 : i32
        %dma_start3A_330 = arith.constant 0 : i32
        %dma_start3A_331 = tpu.memref_slice %arg7[%dma_start3A_313, %dma_start3A_329, %dma_start3A_330] : memref<2x32x128xf32, #tpu.memory_space<vmem>> -> memref<1x32x128xf32, #tpu.memory_space<vmem>>
        %dma_start3A_332 = tpu.memref_squeeze %dma_start3A_331 : memref<1x32x128xf32, #tpu.memory_space<vmem>> -> memref<32x128xf32, #tpu.memory_space<vmem>>
        tpu.enqueue_dma source(%dma_start3A_332 : memref<32x128xf32, #tpu.memory_space<vmem>>) target(%dma_start3A_328 : memref<32x128xf32, #tpu.memory_space<hbm>>) target_semaphore(%dma_start3A_324 : memref<!tpu.dma_semaphore, #tpu.memory_space<semaphore_mem>>)
        %lt3A_333 = arith.constant 22 : i32
        %lt3A_334 = arith.cmpi slt, %add3A_289, %lt3A_333 : i32
        %convert_element_type3A_335 = arith.extui %lt3A_334 : i1 to i32
        %cond3A_336 = arith.constant 0 : i32
        %cond3A_337 = arith.cmpi ne, %convert_element_type3A_335, %cond3A_336 : i32
        scf.if %cond3A_337 {
          %add3A_539 = arith.constant 4 : i32
          %add3A_540 = arith.addi %add3A_289, %add3A_539 : i32
          %dma_start3A_541 = arith.constant 0 : i32
          %dma_start3A_542 = arith.constant 0 : i32
          %dma_start3A_543 = arith.constant 0 : i32
          %dma_start3A_544 = tpu.memref_slice %arg6[%dma_start3A_541, %dma_start3A_543] : memref<4x4096xi32, #tpu.memory_space<vmem>> -> memref<1x4096xi32, #tpu.memory_space<vmem>>
          %dma_start3A_545 = tpu.memref_squeeze %dma_start3A_544 : memref<1x4096xi32, #tpu.memory_space<vmem>> -> memref<4096xi32, #tpu.memory_space<vmem>>
          %dma_start3A_546 = arith.constant 0 : i32
          %dma_start3A_547 = tpu.memref_slice %arg2[%add3A_540, %dma_start3A_546] : memref<26x4096xi32, #tpu.memory_space<hbm>> -> memref<1x4096xi32, #tpu.memory_space<hbm>>
          %dma_start3A_548 = tpu.memref_squeeze %dma_start3A_547 : memref<1x4096xi32, #tpu.memory_space<hbm>> -> memref<4096xi32, #tpu.memory_space<hbm>>
          %dma_start3A_549 = tpu.memref_slice %arg8[%dma_start3A_542] : memref<4x!tpu.dma_semaphore, #tpu.memory_space<semaphore_mem>> -> memref<1x!tpu.dma_semaphore, #tpu.memory_space<semaphore_mem>>
          %dma_start3A_550 = tpu.memref_squeeze %dma_start3A_549 : memref<1x!tpu.dma_semaphore, #tpu.memory_space<semaphore_mem>> -> memref<!tpu.dma_semaphore, #tpu.memory_space<semaphore_mem>>
          %dma_start3A_551 = arith.constant 0 : i32
          %dma_start3A_552 = tpu.memref_slice %arg6[%dma_start3A_541, %dma_start3A_551] : memref<4x4096xi32, #tpu.memory_space<vmem>> -> memref<1x4096xi32, #tpu.memory_space<vmem>>
          %dma_start3A_553 = tpu.memref_squeeze %dma_start3A_552 : memref<1x4096xi32, #tpu.memory_space<vmem>> -> memref<4096xi32, #tpu.memory_space<vmem>>
          %dma_start3A_554 = arith.constant 0 : i32
          %dma_start3A_555 = tpu.memref_slice %arg2[%add3A_540, %dma_start3A_554] : memref<26x4096xi32, #tpu.memory_space<hbm>> -> memref<1x4096xi32, #tpu.memory_space<hbm>>
          %dma_start3A_556 = tpu.memref_squeeze %dma_start3A_555 : memref<1x4096xi32, #tpu.memory_space<hbm>> -> memref<4096xi32, #tpu.memory_space<hbm>>
          tpu.enqueue_dma source(%dma_start3A_556 : memref<4096xi32, #tpu.memory_space<hbm>>) target(%dma_start3A_553 : memref<4096xi32, #tpu.memory_space<vmem>>) target_semaphore(%dma_start3A_550 : memref<!tpu.dma_semaphore, #tpu.memory_space<semaphore_mem>>)
        } else {
        }
        %mul3A_338 = arith.constant 4 : i32
        %mul3A_339 = arith.muli %scan3A_285, %mul3A_338 : i32
        %add3A_340 = arith.constant 1 : i32
        %add3A_341 = arith.addi %mul3A_339, %add3A_340 : i32
        %gt3A_342 = arith.constant 0 : i32
        %gt3A_343 = arith.cmpi sgt, %scan3A_51, %gt3A_342 : i32
        %ge3A_344 = arith.constant 1 : i32
        %ge3A_345 = arith.cmpi sge, %scan3A_285, %ge3A_344 : i32
        %or3A_346 = arith.ori %gt3A_343, %ge3A_345 : i1
        %dma_wait3A_347 = arith.constant 0 : i32
        %dma_wait3A_348 = arith.constant 1 : i32
        %dma_wait3A_349 = arith.constant 1 : i32
        %dma_wait3A_350 = arith.constant 0 : i32
        %dma_wait3A_351 = tpu.memref_slice %arg6[%dma_wait3A_348, %dma_wait3A_350] : memref<4x4096xi32, #tpu.memory_space<vmem>> -> memref<1x4096xi32, #tpu.memory_space<vmem>>
        %dma_wait3A_352 = tpu.memref_squeeze %dma_wait3A_351 : memref<1x4096xi32, #tpu.memory_space<vmem>> -> memref<4096xi32, #tpu.memory_space<vmem>>
        %dma_wait3A_353 = arith.constant 0 : i32
        %dma_wait3A_354 = tpu.memref_slice %arg2[%dma_wait3A_347, %dma_wait3A_353] : memref<26x4096xi32, #tpu.memory_space<hbm>> -> memref<1x4096xi32, #tpu.memory_space<hbm>>
        %dma_wait3A_355 = tpu.memref_squeeze %dma_wait3A_354 : memref<1x4096xi32, #tpu.memory_space<hbm>> -> memref<4096xi32, #tpu.memory_space<hbm>>
        %dma_wait3A_356 = tpu.memref_slice %arg8[%dma_wait3A_349] : memref<4x!tpu.dma_semaphore, #tpu.memory_space<semaphore_mem>> -> memref<1x!tpu.dma_semaphore, #tpu.memory_space<semaphore_mem>>
        %dma_wait3A_357 = tpu.memref_squeeze %dma_wait3A_356 : memref<1x!tpu.dma_semaphore, #tpu.memory_space<semaphore_mem>> -> memref<!tpu.dma_semaphore, #tpu.memory_space<semaphore_mem>>
        %dma_wait3A_358 = arith.constant 0 : i32
        %dma_wait3A_359 = tpu.memref_slice %arg6[%dma_wait3A_348, %dma_wait3A_358] : memref<4x4096xi32, #tpu.memory_space<vmem>> -> memref<1x4096xi32, #tpu.memory_space<vmem>>
        %dma_wait3A_360 = tpu.memref_squeeze %dma_wait3A_359 : memref<1x4096xi32, #tpu.memory_space<vmem>> -> memref<4096xi32, #tpu.memory_space<vmem>>
        %dma_wait3A_361 = arith.constant 0 : i32
        %dma_wait3A_362 = tpu.memref_slice %arg2[%dma_wait3A_347, %dma_wait3A_361] : memref<26x4096xi32, #tpu.memory_space<hbm>> -> memref<1x4096xi32, #tpu.memory_space<hbm>>
        %dma_wait3A_363 = tpu.memref_squeeze %dma_wait3A_362 : memref<1x4096xi32, #tpu.memory_space<hbm>> -> memref<4096xi32, #tpu.memory_space<hbm>>
        tpu.wait_dma2 semaphore(%dma_wait3A_357 : memref<!tpu.dma_semaphore, #tpu.memory_space<semaphore_mem>>) src(%dma_wait3A_363 : memref<4096xi32, #tpu.memory_space<hbm>>) dst(%dma_wait3A_360 : memref<4096xi32, #tpu.memory_space<vmem>>)
        %convert_element_type3A_364 = arith.extui %or3A_346 : i1 to i32
        %cond3A_365 = arith.constant 0 : i32
        %cond3A_366 = arith.cmpi ne, %convert_element_type3A_364, %cond3A_365 : i32
        scf.if %cond3A_366 {
          %dma_wait3A_539 = arith.constant 0 : i32
          %dma_wait3A_540 = arith.constant 0 : i32
          %dma_wait3A_541 = arith.constant 0 : i32
          %dma_wait3A_542 = arith.constant 1 : i32
          %dma_wait3A_543 = arith.constant 1 : i32
          %dma_wait3A_544 = arith.constant 0 : i32
          %dma_wait3A_545 = arith.constant 0 : i32
          %dma_wait3A_546 = tpu.memref_slice %arg7[%dma_wait3A_542, %dma_wait3A_544, %dma_wait3A_545] : memref<2x32x128xf32, #tpu.memory_space<vmem>> -> memref<1x32x128xf32, #tpu.memory_space<vmem>>
          %dma_wait3A_547 = tpu.memref_squeeze %dma_wait3A_546 : memref<1x32x128xf32, #tpu.memory_space<vmem>> -> memref<32x128xf32, #tpu.memory_space<vmem>>
          %dma_wait3A_548 = arith.constant 0 : i32
          %dma_wait3A_549 = arith.constant 0 : i32
          %dma_wait3A_550 = tpu.memref_slice %arg4[%dma_wait3A_539, %dma_wait3A_540, %dma_wait3A_548, %dma_wait3A_541, %dma_wait3A_549] : memref<26x8x32x8x128xf32, #tpu.memory_space<hbm>> -> memref<1x1x32x1x128xf32, #tpu.memory_space<hbm>>
          %dma_wait3A_551 = tpu.memref_squeeze %dma_wait3A_550 : memref<1x1x32x1x128xf32, #tpu.memory_space<hbm>> -> memref<32x128xf32, #tpu.memory_space<hbm>>
          %dma_wait3A_552 = tpu.memref_slice %arg9[%dma_wait3A_543] : memref<2x!tpu.dma_semaphore, #tpu.memory_space<semaphore_mem>> -> memref<1x!tpu.dma_semaphore, #tpu.memory_space<semaphore_mem>>
          %dma_wait3A_553 = tpu.memref_squeeze %dma_wait3A_552 : memref<1x!tpu.dma_semaphore, #tpu.memory_space<semaphore_mem>> -> memref<!tpu.dma_semaphore, #tpu.memory_space<semaphore_mem>>
          %dma_wait3A_554 = arith.constant 0 : i32
          %dma_wait3A_555 = arith.constant 0 : i32
          %dma_wait3A_556 = tpu.memref_slice %arg7[%dma_wait3A_542, %dma_wait3A_554, %dma_wait3A_555] : memref<2x32x128xf32, #tpu.memory_space<vmem>> -> memref<1x32x128xf32, #tpu.memory_space<vmem>>
          %dma_wait3A_557 = tpu.memref_squeeze %dma_wait3A_556 : memref<1x32x128xf32, #tpu.memory_space<vmem>> -> memref<32x128xf32, #tpu.memory_space<vmem>>
          %dma_wait3A_558 = arith.constant 0 : i32
          %dma_wait3A_559 = arith.constant 0 : i32
          %dma_wait3A_560 = tpu.memref_slice %arg4[%dma_wait3A_539, %dma_wait3A_540, %dma_wait3A_558, %dma_wait3A_541, %dma_wait3A_559] : memref<26x8x32x8x128xf32, #tpu.memory_space<hbm>> -> memref<1x1x32x1x128xf32, #tpu.memory_space<hbm>>
          %dma_wait3A_561 = tpu.memref_squeeze %dma_wait3A_560 : memref<1x1x32x1x128xf32, #tpu.memory_space<hbm>> -> memref<32x128xf32, #tpu.memory_space<hbm>>
          tpu.wait_dma2 semaphore(%dma_wait3A_553 : memref<!tpu.dma_semaphore, #tpu.memory_space<semaphore_mem>>) src(%dma_wait3A_561 : memref<32x128xf32, #tpu.memory_space<hbm>>) dst(%dma_wait3A_557 : memref<32x128xf32, #tpu.memory_space<vmem>>)
        } else {
        }
        %parallel_loop3A_367 = arith.constant 0 : i32
        %parallel_loop3A_368 = arith.constant 256 : i32
        %parallel_loop3A_369 = arith.constant 1 : i32
        scf.for %parallel_loop3A_539 = %parallel_loop3A_367 to %parallel_loop3A_368 step %parallel_loop3A_369  : i32 {
          %parallel_loop3A_540 = arith.constant 16 : i32
          %parallel_loop3A_541 = arith.muli %parallel_loop3A_539, %parallel_loop3A_540 : i32
          %parallel_loop3A_542 = arith.constant 1 : i32
          %parallel_loop3A_543 = arith.index_cast %parallel_loop3A_542 : i32 to index
          %parallel_loop3A_544 = arith.index_cast %parallel_loop3A_541 : i32 to index
          %parallel_loop3A_545 = tpu.vector_load %arg6[%parallel_loop3A_543, %parallel_loop3A_544] {strides = array<i32>} : memref<4x4096xi32, #tpu.memory_space<vmem>>, vector<16xi32>,
          %parallel_loop3A_546 = tpu.vector_load_idx %arg5[%parallel_loop3A_545] : memref<100000xf32, #tpu.memory_space<vmem>>[vector<16xi32>], vector<16xf32>,
          %parallel_loop3A_547 = arith.constant 8 : i32
          %parallel_loop3A_548 = arith.divsi %parallel_loop3A_539, %parallel_loop3A_547 : i32
          %parallel_loop3A_549 = arith.constant 0 : i32
          %parallel_loop3A_550 = arith.cmpi sgt, %parallel_loop3A_539, %parallel_loop3A_549 : i32
          %parallel_loop3A_551 = arith.extui %parallel_loop3A_550 : i1 to i32
          %parallel_loop3A_552 = arith.constant 0 : i32
          %parallel_loop3A_553 = arith.cmpi slt, %parallel_loop3A_539, %parallel_loop3A_552 : i32
          %parallel_loop3A_554 = arith.extui %parallel_loop3A_553 : i1 to i32
          %parallel_loop3A_555 = arith.subi %parallel_loop3A_551, %parallel_loop3A_554 : i32
          %parallel_loop3A_556 = arith.constant 0 : i32
          %parallel_loop3A_557 = arith.cmpi sgt, %parallel_loop3A_547, %parallel_loop3A_556 : i32
          %parallel_loop3A_558 = arith.extui %parallel_loop3A_557 : i1 to i32
          %parallel_loop3A_559 = arith.constant 0 : i32
          %parallel_loop3A_560 = arith.cmpi slt, %parallel_loop3A_547, %parallel_loop3A_559 : i32
          %parallel_loop3A_561 = arith.extui %parallel_loop3A_560 : i1 to i32
          %parallel_loop3A_562 = arith.subi %parallel_loop3A_558, %parallel_loop3A_561 : i32
          %parallel_loop3A_563 = arith.cmpi ne, %parallel_loop3A_555, %parallel_loop3A_562 : i32
          %parallel_loop3A_564 = arith.remsi %parallel_loop3A_539, %parallel_loop3A_547 : i32
          %parallel_loop3A_565 = arith.constant 0 : i32
          %parallel_loop3A_566 = arith.cmpi ne, %parallel_loop3A_564, %parallel_loop3A_565 : i32
          %parallel_loop3A_567 = arith.andi %parallel_loop3A_563, %parallel_loop3A_566 : i1
          %parallel_loop3A_568 = arith.constant 1 : i32
          %parallel_loop3A_569 = arith.subi %parallel_loop3A_548, %parallel_loop3A_568 : i32
          %parallel_loop3A_570 = arith.select %parallel_loop3A_567, %parallel_loop3A_569, %parallel_loop3A_548 : i32
          %parallel_loop3A_571 = arith.constant 8 : i32
          %parallel_loop3A_572 = arith.constant 0 : i32
          %parallel_loop3A_573 = arith.cmpi eq, %parallel_loop3A_571, %parallel_loop3A_572 : i32
          %parallel_loop3A_574 = arith.constant 1 : i32
          %parallel_loop3A_575 = arith.select %parallel_loop3A_573, %parallel_loop3A_574, %parallel_loop3A_571 : i32
          %parallel_loop3A_576 = arith.remsi %parallel_loop3A_539, %parallel_loop3A_575 : i32
          %parallel_loop3A_577 = arith.constant 0 : i32
          %parallel_loop3A_578 = arith.cmpi ne, %parallel_loop3A_576, %parallel_loop3A_577 : i32
          %parallel_loop3A_579 = arith.constant 0 : i32
          %parallel_loop3A_580 = arith.cmpi slt, %parallel_loop3A_576, %parallel_loop3A_579 : i32
          %parallel_loop3A_581 = arith.constant 0 : i32
          %parallel_loop3A_582 = arith.cmpi slt, %parallel_loop3A_575, %parallel_loop3A_581 : i32
          %parallel_loop3A_583 = arith.xori %parallel_loop3A_580, %parallel_loop3A_582 : i1
          %parallel_loop3A_584 = arith.andi %parallel_loop3A_583, %parallel_loop3A_578 : i1
          %parallel_loop3A_585 = arith.addi %parallel_loop3A_576, %parallel_loop3A_575 : i32
          %parallel_loop3A_586 = arith.select %parallel_loop3A_584, %parallel_loop3A_585, %parallel_loop3A_576 : i32
          %parallel_loop3A_587 = arith.constant 16 : i32
          %parallel_loop3A_588 = arith.muli %parallel_loop3A_586, %parallel_loop3A_587 : i32
          %parallel_loop3A_589 = arith.constant 1 : i32
          %parallel_loop3A_590 = arith.index_cast %parallel_loop3A_589 : i32 to index
          %parallel_loop3A_591 = arith.index_cast %parallel_loop3A_570 : i32 to index
          %parallel_loop3A_592 = arith.index_cast %parallel_loop3A_588 : i32 to index
          %parallel_loop3A_593 = tpu.vector_load %arg7[%parallel_loop3A_590, %parallel_loop3A_591, %parallel_loop3A_592] {strides = array<i32>} : memref<2x32x128xf32, #tpu.memory_space<vmem>>, vector<16xf32>,
          tpu.vector_store %arg7[%parallel_loop3A_590, %parallel_loop3A_591, %parallel_loop3A_592], %parallel_loop3A_546 {strides = array<i32>} : memref<2x32x128xf32, #tpu.memory_space<vmem>>, vector<16xf32>,
        } {sc.loop_unroll_factor = 8 : i64, sc.parallel_access}
        %dma_start3A_370 = arith.constant 1 : i32
        %dma_start3A_371 = arith.constant 1 : i32
        %dma_start3A_372 = arith.constant 0 : i32
        %dma_start3A_373 = arith.constant 0 : i32
        %dma_start3A_374 = tpu.memref_slice %arg7[%dma_start3A_370, %dma_start3A_372, %dma_start3A_373] : memref<2x32x128xf32, #tpu.memory_space<vmem>> -> memref<1x32x128xf32, #tpu.memory_space<vmem>>
        %dma_start3A_375 = tpu.memref_squeeze %dma_start3A_374 : memref<1x32x128xf32, #tpu.memory_space<vmem>> -> memref<32x128xf32, #tpu.memory_space<vmem>>
        %dma_start3A_376 = arith.constant 0 : i32
        %dma_start3A_377 = arith.constant 0 : i32
        %dma_start3A_378 = tpu.memref_slice %arg4[%add3A_341, %select_n3A, %dma_start3A_376, %select_n3A_84, %dma_start3A_377] : memref<26x8x32x8x128xf32, #tpu.memory_space<hbm>> -> memref<1x1x32x1x128xf32, #tpu.memory_space<hbm>>
        %dma_start3A_379 = tpu.memref_squeeze %dma_start3A_378 : memref<1x1x32x1x128xf32, #tpu.memory_space<hbm>> -> memref<32x128xf32, #tpu.memory_space<hbm>>
        %dma_start3A_380 = tpu.memref_slice %arg9[%dma_start3A_371] : memref<2x!tpu.dma_semaphore, #tpu.memory_space<semaphore_mem>> -> memref<1x!tpu.dma_semaphore, #tpu.memory_space<semaphore_mem>>
        %dma_start3A_381 = tpu.memref_squeeze %dma_start3A_380 : memref<1x!tpu.dma_semaphore, #tpu.memory_space<semaphore_mem>> -> memref<!tpu.dma_semaphore, #tpu.memory_space<semaphore_mem>>
        %dma_start3A_382 = arith.constant 0 : i32
        %dma_start3A_383 = arith.constant 0 : i32
        %dma_start3A_384 = tpu.memref_slice %arg4[%add3A_341, %select_n3A, %dma_start3A_382, %select_n3A_84, %dma_start3A_383] : memref<26x8x32x8x128xf32, #tpu.memory_space<hbm>> -> memref<1x1x32x1x128xf32, #tpu.memory_space<hbm>>
        %dma_start3A_385 = tpu.memref_squeeze %dma_start3A_384 : memref<1x1x32x1x128xf32, #tpu.memory_space<hbm>> -> memref<32x128xf32, #tpu.memory_space<hbm>>
        %dma_start3A_386 = arith.constant 0 : i32
        %dma_start3A_387 = arith.constant 0 : i32
        %dma_start3A_388 = tpu.memref_slice %arg7[%dma_start3A_370, %dma_start3A_386, %dma_start3A_387] : memref<2x32x128xf32, #tpu.memory_space<vmem>> -> memref<1x32x128xf32, #tpu.memory_space<vmem>>
        %dma_start3A_389 = tpu.memref_squeeze %dma_start3A_388 : memref<1x32x128xf32, #tpu.memory_space<vmem>> -> memref<32x128xf32, #tpu.memory_space<vmem>>
        tpu.enqueue_dma source(%dma_start3A_389 : memref<32x128xf32, #tpu.memory_space<vmem>>) target(%dma_start3A_385 : memref<32x128xf32, #tpu.memory_space<hbm>>) target_semaphore(%dma_start3A_381 : memref<!tpu.dma_semaphore, #tpu.memory_space<semaphore_mem>>)
        %lt3A_390 = arith.constant 22 : i32
        %lt3A_391 = arith.cmpi slt, %add3A_341, %lt3A_390 : i32
        %convert_element_type3A_392 = arith.extui %lt3A_391 : i1 to i32
        %cond3A_393 = arith.constant 0 : i32
        %cond3A_394 = arith.cmpi ne, %convert_element_type3A_392, %cond3A_393 : i32
        scf.if %cond3A_394 {
          %add3A_539 = arith.constant 4 : i32
          %add3A_540 = arith.addi %add3A_341, %add3A_539 : i32
          %dma_start3A_541 = arith.constant 1 : i32
          %dma_start3A_542 = arith.constant 1 : i32
          %dma_start3A_543 = arith.constant 0 : i32
          %dma_start3A_544 = tpu.memref_slice %arg6[%dma_start3A_541, %dma_start3A_543] : memref<4x4096xi32, #tpu.memory_space<vmem>> -> memref<1x4096xi32, #tpu.memory_space<vmem>>
          %dma_start3A_545 = tpu.memref_squeeze %dma_start3A_544 : memref<1x4096xi32, #tpu.memory_space<vmem>> -> memref<4096xi32, #tpu.memory_space<vmem>>
          %dma_start3A_546 = arith.constant 0 : i32
          %dma_start3A_547 = tpu.memref_slice %arg2[%add3A_540, %dma_start3A_546] : memref<26x4096xi32, #tpu.memory_space<hbm>> -> memref<1x4096xi32, #tpu.memory_space<hbm>>
          %dma_start3A_548 = tpu.memref_squeeze %dma_start3A_547 : memref<1x4096xi32, #tpu.memory_space<hbm>> -> memref<4096xi32, #tpu.memory_space<hbm>>
          %dma_start3A_549 = tpu.memref_slice %arg8[%dma_start3A_542] : memref<4x!tpu.dma_semaphore, #tpu.memory_space<semaphore_mem>> -> memref<1x!tpu.dma_semaphore, #tpu.memory_space<semaphore_mem>>
          %dma_start3A_550 = tpu.memref_squeeze %dma_start3A_549 : memref<1x!tpu.dma_semaphore, #tpu.memory_space<semaphore_mem>> -> memref<!tpu.dma_semaphore, #tpu.memory_space<semaphore_mem>>
          %dma_start3A_551 = arith.constant 0 : i32
          %dma_start3A_552 = tpu.memref_slice %arg6[%dma_start3A_541, %dma_start3A_551] : memref<4x4096xi32, #tpu.memory_space<vmem>> -> memref<1x4096xi32, #tpu.memory_space<vmem>>
          %dma_start3A_553 = tpu.memref_squeeze %dma_start3A_552 : memref<1x4096xi32, #tpu.memory_space<vmem>> -> memref<4096xi32, #tpu.memory_space<vmem>>
          %dma_start3A_554 = arith.constant 0 : i32
          %dma_start3A_555 = tpu.memref_slice %arg2[%add3A_540, %dma_start3A_554] : memref<26x4096xi32, #tpu.memory_space<hbm>> -> memref<1x4096xi32, #tpu.memory_space<hbm>>
          %dma_start3A_556 = tpu.memref_squeeze %dma_start3A_555 : memref<1x4096xi32, #tpu.memory_space<hbm>> -> memref<4096xi32, #tpu.memory_space<hbm>>
          tpu.enqueue_dma source(%dma_start3A_556 : memref<4096xi32, #tpu.memory_space<hbm>>) target(%dma_start3A_553 : memref<4096xi32, #tpu.memory_space<vmem>>) target_semaphore(%dma_start3A_550 : memref<!tpu.dma_semaphore, #tpu.memory_space<semaphore_mem>>)
        } else {
        }
        %mul3A_395 = arith.constant 4 : i32
        %mul3A_396 = arith.muli %scan3A_285, %mul3A_395 : i32
        %add3A_397 = arith.constant 2 : i32
        %add3A_398 = arith.addi %mul3A_396, %add3A_397 : i32
        %dma_wait3A_399 = arith.constant 0 : i32
        %dma_wait3A_400 = arith.constant 2 : i32
        %dma_wait3A_401 = arith.constant 2 : i32
        %dma_wait3A_402 = arith.constant 0 : i32
        %dma_wait3A_403 = tpu.memref_slice %arg6[%dma_wait3A_400, %dma_wait3A_402] : memref<4x4096xi32, #tpu.memory_space<vmem>> -> memref<1x4096xi32, #tpu.memory_space<vmem>>
        %dma_wait3A_404 = tpu.memref_squeeze %dma_wait3A_403 : memref<1x4096xi32, #tpu.memory_space<vmem>> -> memref<4096xi32, #tpu.memory_space<vmem>>
        %dma_wait3A_405 = arith.constant 0 : i32
        %dma_wait3A_406 = tpu.memref_slice %arg2[%dma_wait3A_399, %dma_wait3A_405] : memref<26x4096xi32, #tpu.memory_space<hbm>> -> memref<1x4096xi32, #tpu.memory_space<hbm>>
        %dma_wait3A_407 = tpu.memref_squeeze %dma_wait3A_406 : memref<1x4096xi32, #tpu.memory_space<hbm>> -> memref<4096xi32, #tpu.memory_space<hbm>>
        %dma_wait3A_408 = tpu.memref_slice %arg8[%dma_wait3A_401] : memref<4x!tpu.dma_semaphore, #tpu.memory_space<semaphore_mem>> -> memref<1x!tpu.dma_semaphore, #tpu.memory_space<semaphore_mem>>
        %dma_wait3A_409 = tpu.memref_squeeze %dma_wait3A_408 : memref<1x!tpu.dma_semaphore, #tpu.memory_space<semaphore_mem>> -> memref<!tpu.dma_semaphore, #tpu.memory_space<semaphore_mem>>
        %dma_wait3A_410 = arith.constant 0 : i32
        %dma_wait3A_411 = tpu.memref_slice %arg6[%dma_wait3A_400, %dma_wait3A_410] : memref<4x4096xi32, #tpu.memory_space<vmem>> -> memref<1x4096xi32, #tpu.memory_space<vmem>>
        %dma_wait3A_412 = tpu.memref_squeeze %dma_wait3A_411 : memref<1x4096xi32, #tpu.memory_space<vmem>> -> memref<4096xi32, #tpu.memory_space<vmem>>
        %dma_wait3A_413 = arith.constant 0 : i32
        %dma_wait3A_414 = tpu.memref_slice %arg2[%dma_wait3A_399, %dma_wait3A_413] : memref<26x4096xi32, #tpu.memory_space<hbm>> -> memref<1x4096xi32, #tpu.memory_space<hbm>>
        %dma_wait3A_415 = tpu.memref_squeeze %dma_wait3A_414 : memref<1x4096xi32, #tpu.memory_space<hbm>> -> memref<4096xi32, #tpu.memory_space<hbm>>
        tpu.wait_dma2 semaphore(%dma_wait3A_409 : memref<!tpu.dma_semaphore, #tpu.memory_space<semaphore_mem>>) src(%dma_wait3A_415 : memref<4096xi32, #tpu.memory_space<hbm>>) dst(%dma_wait3A_412 : memref<4096xi32, #tpu.memory_space<vmem>>)
        %dma_wait3A_416 = arith.constant 0 : i32
        %dma_wait3A_417 = arith.constant 0 : i32
        %dma_wait3A_418 = arith.constant 0 : i32
        %dma_wait3A_419 = arith.constant 0 : i32
        %dma_wait3A_420 = arith.constant 0 : i32
        %dma_wait3A_421 = arith.constant 0 : i32
        %dma_wait3A_422 = arith.constant 0 : i32
        %dma_wait3A_423 = tpu.memref_slice %arg7[%dma_wait3A_419, %dma_wait3A_421, %dma_wait3A_422] : memref<2x32x128xf32, #tpu.memory_space<vmem>> -> memref<1x32x128xf32, #tpu.memory_space<vmem>>
        %dma_wait3A_424 = tpu.memref_squeeze %dma_wait3A_423 : memref<1x32x128xf32, #tpu.memory_space<vmem>> -> memref<32x128xf32, #tpu.memory_space<vmem>>
        %dma_wait3A_425 = arith.constant 0 : i32
        %dma_wait3A_426 = arith.constant 0 : i32
        %dma_wait3A_427 = tpu.memref_slice %arg4[%dma_wait3A_416, %dma_wait3A_417, %dma_wait3A_425, %dma_wait3A_418, %dma_wait3A_426] : memref<26x8x32x8x128xf32, #tpu.memory_space<hbm>> -> memref<1x1x32x1x128xf32, #tpu.memory_space<hbm>>
        %dma_wait3A_428 = tpu.memref_squeeze %dma_wait3A_427 : memref<1x1x32x1x128xf32, #tpu.memory_space<hbm>> -> memref<32x128xf32, #tpu.memory_space<hbm>>
        %dma_wait3A_429 = tpu.memref_slice %arg9[%dma_wait3A_420] : memref<2x!tpu.dma_semaphore, #tpu.memory_space<semaphore_mem>> -> memref<1x!tpu.dma_semaphore, #tpu.memory_space<semaphore_mem>>
        %dma_wait3A_430 = tpu.memref_squeeze %dma_wait3A_429 : memref<1x!tpu.dma_semaphore, #tpu.memory_space<semaphore_mem>> -> memref<!tpu.dma_semaphore, #tpu.memory_space<semaphore_mem>>
        %dma_wait3A_431 = arith.constant 0 : i32
        %dma_wait3A_432 = arith.constant 0 : i32
        %dma_wait3A_433 = tpu.memref_slice %arg7[%dma_wait3A_419, %dma_wait3A_431, %dma_wait3A_432] : memref<2x32x128xf32, #tpu.memory_space<vmem>> -> memref<1x32x128xf32, #tpu.memory_space<vmem>>
        %dma_wait3A_434 = tpu.memref_squeeze %dma_wait3A_433 : memref<1x32x128xf32, #tpu.memory_space<vmem>> -> memref<32x128xf32, #tpu.memory_space<vmem>>
        %dma_wait3A_435 = arith.constant 0 : i32
        %dma_wait3A_436 = arith.constant 0 : i32
        %dma_wait3A_437 = tpu.memref_slice %arg4[%dma_wait3A_416, %dma_wait3A_417, %dma_wait3A_435, %dma_wait3A_418, %dma_wait3A_436] : memref<26x8x32x8x128xf32, #tpu.memory_space<hbm>> -> memref<1x1x32x1x128xf32, #tpu.memory_space<hbm>>
        %dma_wait3A_438 = tpu.memref_squeeze %dma_wait3A_437 : memref<1x1x32x1x128xf32, #tpu.memory_space<hbm>> -> memref<32x128xf32, #tpu.memory_space<hbm>>
        tpu.wait_dma2 semaphore(%dma_wait3A_430 : memref<!tpu.dma_semaphore, #tpu.memory_space<semaphore_mem>>) src(%dma_wait3A_438 : memref<32x128xf32, #tpu.memory_space<hbm>>) dst(%dma_wait3A_434 : memref<32x128xf32, #tpu.memory_space<vmem>>)
        %parallel_loop3A_439 = arith.constant 0 : i32
        %parallel_loop3A_440 = arith.constant 256 : i32
        %parallel_loop3A_441 = arith.constant 1 : i32
        scf.for %parallel_loop3A_539 = %parallel_loop3A_439 to %parallel_loop3A_440 step %parallel_loop3A_441  : i32 {
          %parallel_loop3A_540 = arith.constant 16 : i32
          %parallel_loop3A_541 = arith.muli %parallel_loop3A_539, %parallel_loop3A_540 : i32
          %parallel_loop3A_542 = arith.constant 2 : i32
          %parallel_loop3A_543 = arith.index_cast %parallel_loop3A_542 : i32 to index
          %parallel_loop3A_544 = arith.index_cast %parallel_loop3A_541 : i32 to index
          %parallel_loop3A_545 = tpu.vector_load %arg6[%parallel_loop3A_543, %parallel_loop3A_544] {strides = array<i32>} : memref<4x4096xi32, #tpu.memory_space<vmem>>, vector<16xi32>,
          %parallel_loop3A_546 = tpu.vector_load_idx %arg5[%parallel_loop3A_545] : memref<100000xf32, #tpu.memory_space<vmem>>[vector<16xi32>], vector<16xf32>,
          %parallel_loop3A_547 = arith.constant 8 : i32
          %parallel_loop3A_548 = arith.divsi %parallel_loop3A_539, %parallel_loop3A_547 : i32
          %parallel_loop3A_549 = arith.constant 0 : i32
          %parallel_loop3A_550 = arith.cmpi sgt, %parallel_loop3A_539, %parallel_loop3A_549 : i32
          %parallel_loop3A_551 = arith.extui %parallel_loop3A_550 : i1 to i32
          %parallel_loop3A_552 = arith.constant 0 : i32
          %parallel_loop3A_553 = arith.cmpi slt, %parallel_loop3A_539, %parallel_loop3A_552 : i32
          %parallel_loop3A_554 = arith.extui %parallel_loop3A_553 : i1 to i32
          %parallel_loop3A_555 = arith.subi %parallel_loop3A_551, %parallel_loop3A_554 : i32
          %parallel_loop3A_556 = arith.constant 0 : i32
          %parallel_loop3A_557 = arith.cmpi sgt, %parallel_loop3A_547, %parallel_loop3A_556 : i32
          %parallel_loop3A_558 = arith.extui %parallel_loop3A_557 : i1 to i32
          %parallel_loop3A_559 = arith.constant 0 : i32
          %parallel_loop3A_560 = arith.cmpi slt, %parallel_loop3A_547, %parallel_loop3A_559 : i32
          %parallel_loop3A_561 = arith.extui %parallel_loop3A_560 : i1 to i32
          %parallel_loop3A_562 = arith.subi %parallel_loop3A_558, %parallel_loop3A_561 : i32
          %parallel_loop3A_563 = arith.cmpi ne, %parallel_loop3A_555, %parallel_loop3A_562 : i32
          %parallel_loop3A_564 = arith.remsi %parallel_loop3A_539, %parallel_loop3A_547 : i32
          %parallel_loop3A_565 = arith.constant 0 : i32
          %parallel_loop3A_566 = arith.cmpi ne, %parallel_loop3A_564, %parallel_loop3A_565 : i32
          %parallel_loop3A_567 = arith.andi %parallel_loop3A_563, %parallel_loop3A_566 : i1
          %parallel_loop3A_568 = arith.constant 1 : i32
          %parallel_loop3A_569 = arith.subi %parallel_loop3A_548, %parallel_loop3A_568 : i32
          %parallel_loop3A_570 = arith.select %parallel_loop3A_567, %parallel_loop3A_569, %parallel_loop3A_548 : i32
          %parallel_loop3A_571 = arith.constant 8 : i32
          %parallel_loop3A_572 = arith.constant 0 : i32
          %parallel_loop3A_573 = arith.cmpi eq, %parallel_loop3A_571, %parallel_loop3A_572 : i32
          %parallel_loop3A_574 = arith.constant 1 : i32
          %parallel_loop3A_575 = arith.select %parallel_loop3A_573, %parallel_loop3A_574, %parallel_loop3A_571 : i32
          %parallel_loop3A_576 = arith.remsi %parallel_loop3A_539, %parallel_loop3A_575 : i32
          %parallel_loop3A_577 = arith.constant 0 : i32
          %parallel_loop3A_578 = arith.cmpi ne, %parallel_loop3A_576, %parallel_loop3A_577 : i32
          %parallel_loop3A_579 = arith.constant 0 : i32
          %parallel_loop3A_580 = arith.cmpi slt, %parallel_loop3A_576, %parallel_loop3A_579 : i32
          %parallel_loop3A_581 = arith.constant 0 : i32
          %parallel_loop3A_582 = arith.cmpi slt, %parallel_loop3A_575, %parallel_loop3A_581 : i32
          %parallel_loop3A_583 = arith.xori %parallel_loop3A_580, %parallel_loop3A_582 : i1
          %parallel_loop3A_584 = arith.andi %parallel_loop3A_583, %parallel_loop3A_578 : i1
          %parallel_loop3A_585 = arith.addi %parallel_loop3A_576, %parallel_loop3A_575 : i32
          %parallel_loop3A_586 = arith.select %parallel_loop3A_584, %parallel_loop3A_585, %parallel_loop3A_576 : i32
          %parallel_loop3A_587 = arith.constant 16 : i32
          %parallel_loop3A_588 = arith.muli %parallel_loop3A_586, %parallel_loop3A_587 : i32
          %parallel_loop3A_589 = arith.constant 0 : i32
          %parallel_loop3A_590 = arith.index_cast %parallel_loop3A_589 : i32 to index
          %parallel_loop3A_591 = arith.index_cast %parallel_loop3A_570 : i32 to index
          %parallel_loop3A_592 = arith.index_cast %parallel_loop3A_588 : i32 to index
          %parallel_loop3A_593 = tpu.vector_load %arg7[%parallel_loop3A_590, %parallel_loop3A_591, %parallel_loop3A_592] {strides = array<i32>} : memref<2x32x128xf32, #tpu.memory_space<vmem>>, vector<16xf32>,
          tpu.vector_store %arg7[%parallel_loop3A_590, %parallel_loop3A_591, %parallel_loop3A_592], %parallel_loop3A_546 {strides = array<i32>} : memref<2x32x128xf32, #tpu.memory_space<vmem>>, vector<16xf32>,
        } {sc.loop_unroll_factor = 8 : i64, sc.parallel_access}
        %dma_start3A_442 = arith.constant 0 : i32
        %dma_start3A_443 = arith.constant 0 : i32
        %dma_start3A_444 = arith.constant 0 : i32
        %dma_start3A_445 = arith.constant 0 : i32
        %dma_start3A_446 = tpu.memref_slice %arg7[%dma_start3A_442, %dma_start3A_444, %dma_start3A_445] : memref<2x32x128xf32, #tpu.memory_space<vmem>> -> memref<1x32x128xf32, #tpu.memory_space<vmem>>
        %dma_start3A_447 = tpu.memref_squeeze %dma_start3A_446 : memref<1x32x128xf32, #tpu.memory_space<vmem>> -> memref<32x128xf32, #tpu.memory_space<vmem>>
        %dma_start3A_448 = arith.constant 0 : i32
        %dma_start3A_449 = arith.constant 0 : i32
        %dma_start3A_450 = tpu.memref_slice %arg4[%add3A_398, %select_n3A, %dma_start3A_448, %select_n3A_84, %dma_start3A_449] : memref<26x8x32x8x128xf32, #tpu.memory_space<hbm>> -> memref<1x1x32x1x128xf32, #tpu.memory_space<hbm>>
        %dma_start3A_451 = tpu.memref_squeeze %dma_start3A_450 : memref<1x1x32x1x128xf32, #tpu.memory_space<hbm>> -> memref<32x128xf32, #tpu.memory_space<hbm>>
        %dma_start3A_452 = tpu.memref_slice %arg9[%dma_start3A_443] : memref<2x!tpu.dma_semaphore, #tpu.memory_space<semaphore_mem>> -> memref<1x!tpu.dma_semaphore, #tpu.memory_space<semaphore_mem>>
        %dma_start3A_453 = tpu.memref_squeeze %dma_start3A_452 : memref<1x!tpu.dma_semaphore, #tpu.memory_space<semaphore_mem>> -> memref<!tpu.dma_semaphore, #tpu.memory_space<semaphore_mem>>
        %dma_start3A_454 = arith.constant 0 : i32
        %dma_start3A_455 = arith.constant 0 : i32
        %dma_start3A_456 = tpu.memref_slice %arg4[%add3A_398, %select_n3A, %dma_start3A_454, %select_n3A_84, %dma_start3A_455] : memref<26x8x32x8x128xf32, #tpu.memory_space<hbm>> -> memref<1x1x32x1x128xf32, #tpu.memory_space<hbm>>
        %dma_start3A_457 = tpu.memref_squeeze %dma_start3A_456 : memref<1x1x32x1x128xf32, #tpu.memory_space<hbm>> -> memref<32x128xf32, #tpu.memory_space<hbm>>
        %dma_start3A_458 = arith.constant 0 : i32
        %dma_start3A_459 = arith.constant 0 : i32
        %dma_start3A_460 = tpu.memref_slice %arg7[%dma_start3A_442, %dma_start3A_458, %dma_start3A_459] : memref<2x32x128xf32, #tpu.memory_space<vmem>> -> memref<1x32x128xf32, #tpu.memory_space<vmem>>
        %dma_start3A_461 = tpu.memref_squeeze %dma_start3A_460 : memref<1x32x128xf32, #tpu.memory_space<vmem>> -> memref<32x128xf32, #tpu.memory_space<vmem>>
        tpu.enqueue_dma source(%dma_start3A_461 : memref<32x128xf32, #tpu.memory_space<vmem>>) target(%dma_start3A_457 : memref<32x128xf32, #tpu.memory_space<hbm>>) target_semaphore(%dma_start3A_453 : memref<!tpu.dma_semaphore, #tpu.memory_space<semaphore_mem>>)
        %lt3A_462 = arith.constant 22 : i32
        %lt3A_463 = arith.cmpi slt, %add3A_398, %lt3A_462 : i32
        %convert_element_type3A_464 = arith.extui %lt3A_463 : i1 to i32
        %cond3A_465 = arith.constant 0 : i32
        %cond3A_466 = arith.cmpi ne, %convert_element_type3A_464, %cond3A_465 : i32
        scf.if %cond3A_466 {
          %add3A_539 = arith.constant 4 : i32
          %add3A_540 = arith.addi %add3A_398, %add3A_539 : i32
          %dma_start3A_541 = arith.constant 2 : i32
          %dma_start3A_542 = arith.constant 2 : i32
          %dma_start3A_543 = arith.constant 0 : i32
          %dma_start3A_544 = tpu.memref_slice %arg6[%dma_start3A_541, %dma_start3A_543] : memref<4x4096xi32, #tpu.memory_space<vmem>> -> memref<1x4096xi32, #tpu.memory_space<vmem>>
          %dma_start3A_545 = tpu.memref_squeeze %dma_start3A_544 : memref<1x4096xi32, #tpu.memory_space<vmem>> -> memref<4096xi32, #tpu.memory_space<vmem>>
          %dma_start3A_546 = arith.constant 0 : i32
          %dma_start3A_547 = tpu.memref_slice %arg2[%add3A_540, %dma_start3A_546] : memref<26x4096xi32, #tpu.memory_space<hbm>> -> memref<1x4096xi32, #tpu.memory_space<hbm>>
          %dma_start3A_548 = tpu.memref_squeeze %dma_start3A_547 : memref<1x4096xi32, #tpu.memory_space<hbm>> -> memref<4096xi32, #tpu.memory_space<hbm>>
          %dma_start3A_549 = tpu.memref_slice %arg8[%dma_start3A_542] : memref<4x!tpu.dma_semaphore, #tpu.memory_space<semaphore_mem>> -> memref<1x!tpu.dma_semaphore, #tpu.memory_space<semaphore_mem>>
          %dma_start3A_550 = tpu.memref_squeeze %dma_start3A_549 : memref<1x!tpu.dma_semaphore, #tpu.memory_space<semaphore_mem>> -> memref<!tpu.dma_semaphore, #tpu.memory_space<semaphore_mem>>
          %dma_start3A_551 = arith.constant 0 : i32
          %dma_start3A_552 = tpu.memref_slice %arg6[%dma_start3A_541, %dma_start3A_551] : memref<4x4096xi32, #tpu.memory_space<vmem>> -> memref<1x4096xi32, #tpu.memory_space<vmem>>
          %dma_start3A_553 = tpu.memref_squeeze %dma_start3A_552 : memref<1x4096xi32, #tpu.memory_space<vmem>> -> memref<4096xi32, #tpu.memory_space<vmem>>
          %dma_start3A_554 = arith.constant 0 : i32
          %dma_start3A_555 = tpu.memref_slice %arg2[%add3A_540, %dma_start3A_554] : memref<26x4096xi32, #tpu.memory_space<hbm>> -> memref<1x4096xi32, #tpu.memory_space<hbm>>
          %dma_start3A_556 = tpu.memref_squeeze %dma_start3A_555 : memref<1x4096xi32, #tpu.memory_space<hbm>> -> memref<4096xi32, #tpu.memory_space<hbm>>
          tpu.enqueue_dma source(%dma_start3A_556 : memref<4096xi32, #tpu.memory_space<hbm>>) target(%dma_start3A_553 : memref<4096xi32, #tpu.memory_space<vmem>>) target_semaphore(%dma_start3A_550 : memref<!tpu.dma_semaphore, #tpu.memory_space<semaphore_mem>>)
        } else {
        }
        %mul3A_467 = arith.constant 4 : i32
        %mul3A_468 = arith.muli %scan3A_285, %mul3A_467 : i32
        %add3A_469 = arith.constant 3 : i32
        %add3A_470 = arith.addi %mul3A_468, %add3A_469 : i32
        %dma_wait3A_471 = arith.constant 0 : i32
        %dma_wait3A_472 = arith.constant 3 : i32
        %dma_wait3A_473 = arith.constant 3 : i32
        %dma_wait3A_474 = arith.constant 0 : i32
        %dma_wait3A_475 = tpu.memref_slice %arg6[%dma_wait3A_472, %dma_wait3A_474] : memref<4x4096xi32, #tpu.memory_space<vmem>> -> memref<1x4096xi32, #tpu.memory_space<vmem>>
        %dma_wait3A_476 = tpu.memref_squeeze %dma_wait3A_475 : memref<1x4096xi32, #tpu.memory_space<vmem>> -> memref<4096xi32, #tpu.memory_space<vmem>>
        %dma_wait3A_477 = arith.constant 0 : i32
        %dma_wait3A_478 = tpu.memref_slice %arg2[%dma_wait3A_471, %dma_wait3A_477] : memref<26x4096xi32, #tpu.memory_space<hbm>> -> memref<1x4096xi32, #tpu.memory_space<hbm>>
        %dma_wait3A_479 = tpu.memref_squeeze %dma_wait3A_478 : memref<1x4096xi32, #tpu.memory_space<hbm>> -> memref<4096xi32, #tpu.memory_space<hbm>>
        %dma_wait3A_480 = tpu.memref_slice %arg8[%dma_wait3A_473] : memref<4x!tpu.dma_semaphore, #tpu.memory_space<semaphore_mem>> -> memref<1x!tpu.dma_semaphore, #tpu.memory_space<semaphore_mem>>
        %dma_wait3A_481 = tpu.memref_squeeze %dma_wait3A_480 : memref<1x!tpu.dma_semaphore, #tpu.memory_space<semaphore_mem>> -> memref<!tpu.dma_semaphore, #tpu.memory_space<semaphore_mem>>
        %dma_wait3A_482 = arith.constant 0 : i32
        %dma_wait3A_483 = tpu.memref_slice %arg6[%dma_wait3A_472, %dma_wait3A_482] : memref<4x4096xi32, #tpu.memory_space<vmem>> -> memref<1x4096xi32, #tpu.memory_space<vmem>>
        %dma_wait3A_484 = tpu.memref_squeeze %dma_wait3A_483 : memref<1x4096xi32, #tpu.memory_space<vmem>> -> memref<4096xi32, #tpu.memory_space<vmem>>
        %dma_wait3A_485 = arith.constant 0 : i32
        %dma_wait3A_486 = tpu.memref_slice %arg2[%dma_wait3A_471, %dma_wait3A_485] : memref<26x4096xi32, #tpu.memory_space<hbm>> -> memref<1x4096xi32, #tpu.memory_space<hbm>>
        %dma_wait3A_487 = tpu.memref_squeeze %dma_wait3A_486 : memref<1x4096xi32, #tpu.memory_space<hbm>> -> memref<4096xi32, #tpu.memory_space<hbm>>
        tpu.wait_dma2 semaphore(%dma_wait3A_481 : memref<!tpu.dma_semaphore, #tpu.memory_space<semaphore_mem>>) src(%dma_wait3A_487 : memref<4096xi32, #tpu.memory_space<hbm>>) dst(%dma_wait3A_484 : memref<4096xi32, #tpu.memory_space<vmem>>)
        %dma_wait3A_488 = arith.constant 0 : i32
        %dma_wait3A_489 = arith.constant 0 : i32
        %dma_wait3A_490 = arith.constant 0 : i32
        %dma_wait3A_491 = arith.constant 1 : i32
        %dma_wait3A_492 = arith.constant 1 : i32
        %dma_wait3A_493 = arith.constant 0 : i32
        %dma_wait3A_494 = arith.constant 0 : i32
        %dma_wait3A_495 = tpu.memref_slice %arg7[%dma_wait3A_491, %dma_wait3A_493, %dma_wait3A_494] : memref<2x32x128xf32, #tpu.memory_space<vmem>> -> memref<1x32x128xf32, #tpu.memory_space<vmem>>
        %dma_wait3A_496 = tpu.memref_squeeze %dma_wait3A_495 : memref<1x32x128xf32, #tpu.memory_space<vmem>> -> memref<32x128xf32, #tpu.memory_space<vmem>>
        %dma_wait3A_497 = arith.constant 0 : i32
        %dma_wait3A_498 = arith.constant 0 : i32
        %dma_wait3A_499 = tpu.memref_slice %arg4[%dma_wait3A_488, %dma_wait3A_489, %dma_wait3A_497, %dma_wait3A_490, %dma_wait3A_498] : memref<26x8x32x8x128xf32, #tpu.memory_space<hbm>> -> memref<1x1x32x1x128xf32, #tpu.memory_space<hbm>>
        %dma_wait3A_500 = tpu.memref_squeeze %dma_wait3A_499 : memref<1x1x32x1x128xf32, #tpu.memory_space<hbm>> -> memref<32x128xf32, #tpu.memory_space<hbm>>
        %dma_wait3A_501 = tpu.memref_slice %arg9[%dma_wait3A_492] : memref<2x!tpu.dma_semaphore, #tpu.memory_space<semaphore_mem>> -> memref<1x!tpu.dma_semaphore, #tpu.memory_space<semaphore_mem>>
        %dma_wait3A_502 = tpu.memref_squeeze %dma_wait3A_501 : memref<1x!tpu.dma_semaphore, #tpu.memory_space<semaphore_mem>> -> memref<!tpu.dma_semaphore, #tpu.memory_space<semaphore_mem>>
        %dma_wait3A_503 = arith.constant 0 : i32
        %dma_wait3A_504 = arith.constant 0 : i32
        %dma_wait3A_505 = tpu.memref_slice %arg7[%dma_wait3A_491, %dma_wait3A_503, %dma_wait3A_504] : memref<2x32x128xf32, #tpu.memory_space<vmem>> -> memref<1x32x128xf32, #tpu.memory_space<vmem>>
        %dma_wait3A_506 = tpu.memref_squeeze %dma_wait3A_505 : memref<1x32x128xf32, #tpu.memory_space<vmem>> -> memref<32x128xf32, #tpu.memory_space<vmem>>
        %dma_wait3A_507 = arith.constant 0 : i32
        %dma_wait3A_508 = arith.constant 0 : i32
        %dma_wait3A_509 = tpu.memref_slice %arg4[%dma_wait3A_488, %dma_wait3A_489, %dma_wait3A_507, %dma_wait3A_490, %dma_wait3A_508] : memref<26x8x32x8x128xf32, #tpu.memory_space<hbm>> -> memref<1x1x32x1x128xf32, #tpu.memory_space<hbm>>
        %dma_wait3A_510 = tpu.memref_squeeze %dma_wait3A_509 : memref<1x1x32x1x128xf32, #tpu.memory_space<hbm>> -> memref<32x128xf32, #tpu.memory_space<hbm>>
        tpu.wait_dma2 semaphore(%dma_wait3A_502 : memref<!tpu.dma_semaphore, #tpu.memory_space<semaphore_mem>>) src(%dma_wait3A_510 : memref<32x128xf32, #tpu.memory_space<hbm>>) dst(%dma_wait3A_506 : memref<32x128xf32, #tpu.memory_space<vmem>>)
        %parallel_loop3A_511 = arith.constant 0 : i32
        %parallel_loop3A_512 = arith.constant 256 : i32
        %parallel_loop3A_513 = arith.constant 1 : i32
        scf.for %parallel_loop3A_539 = %parallel_loop3A_511 to %parallel_loop3A_512 step %parallel_loop3A_513  : i32 {
          %parallel_loop3A_540 = arith.constant 16 : i32
          %parallel_loop3A_541 = arith.muli %parallel_loop3A_539, %parallel_loop3A_540 : i32
          %parallel_loop3A_542 = arith.constant 3 : i32
          %parallel_loop3A_543 = arith.index_cast %parallel_loop3A_542 : i32 to index
          %parallel_loop3A_544 = arith.index_cast %parallel_loop3A_541 : i32 to index
          %parallel_loop3A_545 = tpu.vector_load %arg6[%parallel_loop3A_543, %parallel_loop3A_544] {strides = array<i32>} : memref<4x4096xi32, #tpu.memory_space<vmem>>, vector<16xi32>,
          %parallel_loop3A_546 = tpu.vector_load_idx %arg5[%parallel_loop3A_545] : memref<100000xf32, #tpu.memory_space<vmem>>[vector<16xi32>], vector<16xf32>,
          %parallel_loop3A_547 = arith.constant 8 : i32
          %parallel_loop3A_548 = arith.divsi %parallel_loop3A_539, %parallel_loop3A_547 : i32
          %parallel_loop3A_549 = arith.constant 0 : i32
          %parallel_loop3A_550 = arith.cmpi sgt, %parallel_loop3A_539, %parallel_loop3A_549 : i32
          %parallel_loop3A_551 = arith.extui %parallel_loop3A_550 : i1 to i32
          %parallel_loop3A_552 = arith.constant 0 : i32
          %parallel_loop3A_553 = arith.cmpi slt, %parallel_loop3A_539, %parallel_loop3A_552 : i32
          %parallel_loop3A_554 = arith.extui %parallel_loop3A_553 : i1 to i32
          %parallel_loop3A_555 = arith.subi %parallel_loop3A_551, %parallel_loop3A_554 : i32
          %parallel_loop3A_556 = arith.constant 0 : i32
          %parallel_loop3A_557 = arith.cmpi sgt, %parallel_loop3A_547, %parallel_loop3A_556 : i32
          %parallel_loop3A_558 = arith.extui %parallel_loop3A_557 : i1 to i32
          %parallel_loop3A_559 = arith.constant 0 : i32
          %parallel_loop3A_560 = arith.cmpi slt, %parallel_loop3A_547, %parallel_loop3A_559 : i32
          %parallel_loop3A_561 = arith.extui %parallel_loop3A_560 : i1 to i32
          %parallel_loop3A_562 = arith.subi %parallel_loop3A_558, %parallel_loop3A_561 : i32
          %parallel_loop3A_563 = arith.cmpi ne, %parallel_loop3A_555, %parallel_loop3A_562 : i32
          %parallel_loop3A_564 = arith.remsi %parallel_loop3A_539, %parallel_loop3A_547 : i32
          %parallel_loop3A_565 = arith.constant 0 : i32
          %parallel_loop3A_566 = arith.cmpi ne, %parallel_loop3A_564, %parallel_loop3A_565 : i32
          %parallel_loop3A_567 = arith.andi %parallel_loop3A_563, %parallel_loop3A_566 : i1
          %parallel_loop3A_568 = arith.constant 1 : i32
          %parallel_loop3A_569 = arith.subi %parallel_loop3A_548, %parallel_loop3A_568 : i32
          %parallel_loop3A_570 = arith.select %parallel_loop3A_567, %parallel_loop3A_569, %parallel_loop3A_548 : i32
          %parallel_loop3A_571 = arith.constant 8 : i32
          %parallel_loop3A_572 = arith.constant 0 : i32
          %parallel_loop3A_573 = arith.cmpi eq, %parallel_loop3A_571, %parallel_loop3A_572 : i32
          %parallel_loop3A_574 = arith.constant 1 : i32
          %parallel_loop3A_575 = arith.select %parallel_loop3A_573, %parallel_loop3A_574, %parallel_loop3A_571 : i32
          %parallel_loop3A_576 = arith.remsi %parallel_loop3A_539, %parallel_loop3A_575 : i32
          %parallel_loop3A_577 = arith.constant 0 : i32
          %parallel_loop3A_578 = arith.cmpi ne, %parallel_loop3A_576, %parallel_loop3A_577 : i32
          %parallel_loop3A_579 = arith.constant 0 : i32
          %parallel_loop3A_580 = arith.cmpi slt, %parallel_loop3A_576, %parallel_loop3A_579 : i32
          %parallel_loop3A_581 = arith.constant 0 : i32
          %parallel_loop3A_582 = arith.cmpi slt, %parallel_loop3A_575, %parallel_loop3A_581 : i32
          %parallel_loop3A_583 = arith.xori %parallel_loop3A_580, %parallel_loop3A_582 : i1
          %parallel_loop3A_584 = arith.andi %parallel_loop3A_583, %parallel_loop3A_578 : i1
          %parallel_loop3A_585 = arith.addi %parallel_loop3A_576, %parallel_loop3A_575 : i32
          %parallel_loop3A_586 = arith.select %parallel_loop3A_584, %parallel_loop3A_585, %parallel_loop3A_576 : i32
          %parallel_loop3A_587 = arith.constant 16 : i32
          %parallel_loop3A_588 = arith.muli %parallel_loop3A_586, %parallel_loop3A_587 : i32
          %parallel_loop3A_589 = arith.constant 1 : i32
          %parallel_loop3A_590 = arith.index_cast %parallel_loop3A_589 : i32 to index
          %parallel_loop3A_591 = arith.index_cast %parallel_loop3A_570 : i32 to index
          %parallel_loop3A_592 = arith.index_cast %parallel_loop3A_588 : i32 to index
          %parallel_loop3A_593 = tpu.vector_load %arg7[%parallel_loop3A_590, %parallel_loop3A_591, %parallel_loop3A_592] {strides = array<i32>} : memref<2x32x128xf32, #tpu.memory_space<vmem>>, vector<16xf32>,
          tpu.vector_store %arg7[%parallel_loop3A_590, %parallel_loop3A_591, %parallel_loop3A_592], %parallel_loop3A_546 {strides = array<i32>} : memref<2x32x128xf32, #tpu.memory_space<vmem>>, vector<16xf32>,
        } {sc.loop_unroll_factor = 8 : i64, sc.parallel_access}
        %dma_start3A_514 = arith.constant 1 : i32
        %dma_start3A_515 = arith.constant 1 : i32
        %dma_start3A_516 = arith.constant 0 : i32
        %dma_start3A_517 = arith.constant 0 : i32
        %dma_start3A_518 = tpu.memref_slice %arg7[%dma_start3A_514, %dma_start3A_516, %dma_start3A_517] : memref<2x32x128xf32, #tpu.memory_space<vmem>> -> memref<1x32x128xf32, #tpu.memory_space<vmem>>
        %dma_start3A_519 = tpu.memref_squeeze %dma_start3A_518 : memref<1x32x128xf32, #tpu.memory_space<vmem>> -> memref<32x128xf32, #tpu.memory_space<vmem>>
        %dma_start3A_520 = arith.constant 0 : i32
        %dma_start3A_521 = arith.constant 0 : i32
        %dma_start3A_522 = tpu.memref_slice %arg4[%add3A_470, %select_n3A, %dma_start3A_520, %select_n3A_84, %dma_start3A_521] : memref<26x8x32x8x128xf32, #tpu.memory_space<hbm>> -> memref<1x1x32x1x128xf32, #tpu.memory_space<hbm>>
        %dma_start3A_523 = tpu.memref_squeeze %dma_start3A_522 : memref<1x1x32x1x128xf32, #tpu.memory_space<hbm>> -> memref<32x128xf32, #tpu.memory_space<hbm>>
        %dma_start3A_524 = tpu.memref_slice %arg9[%dma_start3A_515] : memref<2x!tpu.dma_semaphore, #tpu.memory_space<semaphore_mem>> -> memref<1x!tpu.dma_semaphore, #tpu.memory_space<semaphore_mem>>
        %dma_start3A_525 = tpu.memref_squeeze %dma_start3A_524 : memref<1x!tpu.dma_semaphore, #tpu.memory_space<semaphore_mem>> -> memref<!tpu.dma_semaphore, #tpu.memory_space<semaphore_mem>>
        %dma_start3A_526 = arith.constant 0 : i32
        %dma_start3A_527 = arith.constant 0 : i32
        %dma_start3A_528 = tpu.memref_slice %arg4[%add3A_470, %select_n3A, %dma_start3A_526, %select_n3A_84, %dma_start3A_527] : memref<26x8x32x8x128xf32, #tpu.memory_space<hbm>> -> memref<1x1x32x1x128xf32, #tpu.memory_space<hbm>>
        %dma_start3A_529 = tpu.memref_squeeze %dma_start3A_528 : memref<1x1x32x1x128xf32, #tpu.memory_space<hbm>> -> memref<32x128xf32, #tpu.memory_space<hbm>>
        %dma_start3A_530 = arith.constant 0 : i32
        %dma_start3A_531 = arith.constant 0 : i32
        %dma_start3A_532 = tpu.memref_slice %arg7[%dma_start3A_514, %dma_start3A_530, %dma_start3A_531] : memref<2x32x128xf32, #tpu.memory_space<vmem>> -> memref<1x32x128xf32, #tpu.memory_space<vmem>>
        %dma_start3A_533 = tpu.memref_squeeze %dma_start3A_532 : memref<1x32x128xf32, #tpu.memory_space<vmem>> -> memref<32x128xf32, #tpu.memory_space<vmem>>
        tpu.enqueue_dma source(%dma_start3A_533 : memref<32x128xf32, #tpu.memory_space<vmem>>) target(%dma_start3A_529 : memref<32x128xf32, #tpu.memory_space<hbm>>) target_semaphore(%dma_start3A_525 : memref<!tpu.dma_semaphore, #tpu.memory_space<semaphore_mem>>)
        %lt3A_534 = arith.constant 22 : i32
        %lt3A_535 = arith.cmpi slt, %add3A_470, %lt3A_534 : i32
        %convert_element_type3A_536 = arith.extui %lt3A_535 : i1 to i32
        %cond3A_537 = arith.constant 0 : i32
        %cond3A_538 = arith.cmpi ne, %convert_element_type3A_536, %cond3A_537 : i32
        scf.if %cond3A_538 {
          %add3A_539 = arith.constant 4 : i32
          %add3A_540 = arith.addi %add3A_470, %add3A_539 : i32
          %dma_start3A_541 = arith.constant 3 : i32
          %dma_start3A_542 = arith.constant 3 : i32
          %dma_start3A_543 = arith.constant 0 : i32
          %dma_start3A_544 = tpu.memref_slice %arg6[%dma_start3A_541, %dma_start3A_543] : memref<4x4096xi32, #tpu.memory_space<vmem>> -> memref<1x4096xi32, #tpu.memory_space<vmem>>
          %dma_start3A_545 = tpu.memref_squeeze %dma_start3A_544 : memref<1x4096xi32, #tpu.memory_space<vmem>> -> memref<4096xi32, #tpu.memory_space<vmem>>
          %dma_start3A_546 = arith.constant 0 : i32
          %dma_start3A_547 = tpu.memref_slice %arg2[%add3A_540, %dma_start3A_546] : memref<26x4096xi32, #tpu.memory_space<hbm>> -> memref<1x4096xi32, #tpu.memory_space<hbm>>
          %dma_start3A_548 = tpu.memref_squeeze %dma_start3A_547 : memref<1x4096xi32, #tpu.memory_space<hbm>> -> memref<4096xi32, #tpu.memory_space<hbm>>
          %dma_start3A_549 = tpu.memref_slice %arg8[%dma_start3A_542] : memref<4x!tpu.dma_semaphore, #tpu.memory_space<semaphore_mem>> -> memref<1x!tpu.dma_semaphore, #tpu.memory_space<semaphore_mem>>
          %dma_start3A_550 = tpu.memref_squeeze %dma_start3A_549 : memref<1x!tpu.dma_semaphore, #tpu.memory_space<semaphore_mem>> -> memref<!tpu.dma_semaphore, #tpu.memory_space<semaphore_mem>>
          %dma_start3A_551 = arith.constant 0 : i32
          %dma_start3A_552 = tpu.memref_slice %arg6[%dma_start3A_541, %dma_start3A_551] : memref<4x4096xi32, #tpu.memory_space<vmem>> -> memref<1x4096xi32, #tpu.memory_space<vmem>>
          %dma_start3A_553 = tpu.memref_squeeze %dma_start3A_552 : memref<1x4096xi32, #tpu.memory_space<vmem>> -> memref<4096xi32, #tpu.memory_space<vmem>>
          %dma_start3A_554 = arith.constant 0 : i32
          %dma_start3A_555 = tpu.memref_slice %arg2[%add3A_540, %dma_start3A_554] : memref<26x4096xi32, #tpu.memory_space<hbm>> -> memref<1x4096xi32, #tpu.memory_space<hbm>>
          %dma_start3A_556 = tpu.memref_squeeze %dma_start3A_555 : memref<1x4096xi32, #tpu.memory_space<hbm>> -> memref<4096xi32, #tpu.memory_space<hbm>>
          tpu.enqueue_dma source(%dma_start3A_556 : memref<4096xi32, #tpu.memory_space<hbm>>) target(%dma_start3A_553 : memref<4096xi32, #tpu.memory_space<vmem>>) target_semaphore(%dma_start3A_550 : memref<!tpu.dma_semaphore, #tpu.memory_space<semaphore_mem>>)
        } else {
        }
      }
      %scan3A_157 = arith.constant 6 : i32
      %dma_wait3A_158 = arith.constant 0 : i32
      %dma_wait3A_159 = arith.constant 0 : i32
      %dma_wait3A_160 = arith.constant 0 : i32
      %dma_wait3A_161 = arith.constant 0 : i32
      %dma_wait3A_162 = tpu.memref_slice %arg6[%dma_wait3A_159, %dma_wait3A_161] : memref<4x4096xi32, #tpu.memory_space<vmem>> -> memref<1x4096xi32, #tpu.memory_space<vmem>>
      %dma_wait3A_163 = tpu.memref_squeeze %dma_wait3A_162 : memref<1x4096xi32, #tpu.memory_space<vmem>> -> memref<4096xi32, #tpu.memory_space<vmem>>
      %dma_wait3A_164 = arith.constant 0 : i32
      %dma_wait3A_165 = tpu.memref_slice %arg2[%dma_wait3A_158, %dma_wait3A_164] : memref<26x4096xi32, #tpu.memory_space<hbm>> -> memref<1x4096xi32, #tpu.memory_space<hbm>>
      %dma_wait3A_166 = tpu.memref_squeeze %dma_wait3A_165 : memref<1x4096xi32, #tpu.memory_space<hbm>> -> memref<4096xi32, #tpu.memory_space<hbm>>
      %dma_wait3A_167 = tpu.memref_slice %arg8[%dma_wait3A_160] : memref<4x!tpu.dma_semaphore, #tpu.memory_space<semaphore_mem>> -> memref<1x!tpu.dma_semaphore, #tpu.memory_space<semaphore_mem>>
      %dma_wait3A_168 = tpu.memref_squeeze %dma_wait3A_167 : memref<1x!tpu.dma_semaphore, #tpu.memory_space<semaphore_mem>> -> memref<!tpu.dma_semaphore, #tpu.memory_space<semaphore_mem>>
      %dma_wait3A_169 = arith.constant 0 : i32
      %dma_wait3A_170 = tpu.memref_slice %arg6[%dma_wait3A_159, %dma_wait3A_169] : memref<4x4096xi32, #tpu.memory_space<vmem>> -> memref<1x4096xi32, #tpu.memory_space<vmem>>
      %dma_wait3A_171 = tpu.memref_squeeze %dma_wait3A_170 : memref<1x4096xi32, #tpu.memory_space<vmem>> -> memref<4096xi32, #tpu.memory_space<vmem>>
      %dma_wait3A_172 = arith.constant 0 : i32
      %dma_wait3A_173 = tpu.memref_slice %arg2[%dma_wait3A_158, %dma_wait3A_172] : memref<26x4096xi32, #tpu.memory_space<hbm>> -> memref<1x4096xi32, #tpu.memory_space<hbm>>
      %dma_wait3A_174 = tpu.memref_squeeze %dma_wait3A_173 : memref<1x4096xi32, #tpu.memory_space<hbm>> -> memref<4096xi32, #tpu.memory_space<hbm>>
      tpu.wait_dma2 semaphore(%dma_wait3A_168 : memref<!tpu.dma_semaphore, #tpu.memory_space<semaphore_mem>>) src(%dma_wait3A_174 : memref<4096xi32, #tpu.memory_space<hbm>>) dst(%dma_wait3A_171 : memref<4096xi32, #tpu.memory_space<vmem>>)
      %dma_wait3A_175 = arith.constant 0 : i32
      %dma_wait3A_176 = arith.constant 0 : i32
      %dma_wait3A_177 = arith.constant 0 : i32
      %dma_wait3A_178 = arith.constant 0 : i32
      %dma_wait3A_179 = arith.constant 0 : i32
      %dma_wait3A_180 = arith.constant 0 : i32
      %dma_wait3A_181 = arith.constant 0 : i32
      %dma_wait3A_182 = tpu.memref_slice %arg7[%dma_wait3A_178, %dma_wait3A_180, %dma_wait3A_181] : memref<2x32x128xf32, #tpu.memory_space<vmem>> -> memref<1x32x128xf32, #tpu.memory_space<vmem>>
      %dma_wait3A_183 = tpu.memref_squeeze %dma_wait3A_182 : memref<1x32x128xf32, #tpu.memory_space<vmem>> -> memref<32x128xf32, #tpu.memory_space<vmem>>
      %dma_wait3A_184 = arith.constant 0 : i32
      %dma_wait3A_185 = arith.constant 0 : i32
      %dma_wait3A_186 = tpu.memref_slice %arg4[%dma_wait3A_175, %dma_wait3A_176, %dma_wait3A_184, %dma_wait3A_177, %dma_wait3A_185] : memref<26x8x32x8x128xf32, #tpu.memory_space<hbm>> -> memref<1x1x32x1x128xf32, #tpu.memory_space<hbm>>
      %dma_wait3A_187 = tpu.memref_squeeze %dma_wait3A_186 : memref<1x1x32x1x128xf32, #tpu.memory_space<hbm>> -> memref<32x128xf32, #tpu.memory_space<hbm>>
      %dma_wait3A_188 = tpu.memref_slice %arg9[%dma_wait3A_179] : memref<2x!tpu.dma_semaphore, #tpu.memory_space<semaphore_mem>> -> memref<1x!tpu.dma_semaphore, #tpu.memory_space<semaphore_mem>>
      %dma_wait3A_189 = tpu.memref_squeeze %dma_wait3A_188 : memref<1x!tpu.dma_semaphore, #tpu.memory_space<semaphore_mem>> -> memref<!tpu.dma_semaphore, #tpu.memory_space<semaphore_mem>>
      %dma_wait3A_190 = arith.constant 0 : i32
      %dma_wait3A_191 = arith.constant 0 : i32
      %dma_wait3A_192 = tpu.memref_slice %arg7[%dma_wait3A_178, %dma_wait3A_190, %dma_wait3A_191] : memref<2x32x128xf32, #tpu.memory_space<vmem>> -> memref<1x32x128xf32, #tpu.memory_space<vmem>>
      %dma_wait3A_193 = tpu.memref_squeeze %dma_wait3A_192 : memref<1x32x128xf32, #tpu.memory_space<vmem>> -> memref<32x128xf32, #tpu.memory_space<vmem>>
      %dma_wait3A_194 = arith.constant 0 : i32
      %dma_wait3A_195 = arith.constant 0 : i32
      %dma_wait3A_196 = tpu.memref_slice %arg4[%dma_wait3A_175, %dma_wait3A_176, %dma_wait3A_194, %dma_wait3A_177, %dma_wait3A_195] : memref<26x8x32x8x128xf32, #tpu.memory_space<hbm>> -> memref<1x1x32x1x128xf32, #tpu.memory_space<hbm>>
      %dma_wait3A_197 = tpu.memref_squeeze %dma_wait3A_196 : memref<1x1x32x1x128xf32, #tpu.memory_space<hbm>> -> memref<32x128xf32, #tpu.memory_space<hbm>>
      tpu.wait_dma2 semaphore(%dma_wait3A_189 : memref<!tpu.dma_semaphore, #tpu.memory_space<semaphore_mem>>) src(%dma_wait3A_197 : memref<32x128xf32, #tpu.memory_space<hbm>>) dst(%dma_wait3A_193 : memref<32x128xf32, #tpu.memory_space<vmem>>)
      %parallel_loop3A = arith.constant 0 : i32
      %parallel_loop3A_198 = arith.constant 256 : i32
      %parallel_loop3A_199 = arith.constant 1 : i32
      scf.for %parallel_loop3A_285 = %parallel_loop3A to %parallel_loop3A_198 step %parallel_loop3A_199  : i32 {
        %parallel_loop3A_286 = arith.constant 16 : i32
        %parallel_loop3A_287 = arith.muli %parallel_loop3A_285, %parallel_loop3A_286 : i32
        %parallel_loop3A_288 = arith.constant 0 : i32
        %parallel_loop3A_289 = arith.index_cast %parallel_loop3A_288 : i32 to index
        %parallel_loop3A_290 = arith.index_cast %parallel_loop3A_287 : i32 to index
        %parallel_loop3A_291 = tpu.vector_load %arg6[%parallel_loop3A_289, %parallel_loop3A_290] {strides = array<i32>} : memref<4x4096xi32, #tpu.memory_space<vmem>>, vector<16xi32>,
        %parallel_loop3A_292 = tpu.vector_load_idx %arg5[%parallel_loop3A_291] : memref<100000xf32, #tpu.memory_space<vmem>>[vector<16xi32>], vector<16xf32>,
        %parallel_loop3A_293 = arith.constant 8 : i32
        %parallel_loop3A_294 = arith.divsi %parallel_loop3A_285, %parallel_loop3A_293 : i32
        %parallel_loop3A_295 = arith.constant 0 : i32
        %parallel_loop3A_296 = arith.cmpi sgt, %parallel_loop3A_285, %parallel_loop3A_295 : i32
        %parallel_loop3A_297 = arith.extui %parallel_loop3A_296 : i1 to i32
        %parallel_loop3A_298 = arith.constant 0 : i32
        %parallel_loop3A_299 = arith.cmpi slt, %parallel_loop3A_285, %parallel_loop3A_298 : i32
        %parallel_loop3A_300 = arith.extui %parallel_loop3A_299 : i1 to i32
        %parallel_loop3A_301 = arith.subi %parallel_loop3A_297, %parallel_loop3A_300 : i32
        %parallel_loop3A_302 = arith.constant 0 : i32
        %parallel_loop3A_303 = arith.cmpi sgt, %parallel_loop3A_293, %parallel_loop3A_302 : i32
        %parallel_loop3A_304 = arith.extui %parallel_loop3A_303 : i1 to i32
        %parallel_loop3A_305 = arith.constant 0 : i32
        %parallel_loop3A_306 = arith.cmpi slt, %parallel_loop3A_293, %parallel_loop3A_305 : i32
        %parallel_loop3A_307 = arith.extui %parallel_loop3A_306 : i1 to i32
        %parallel_loop3A_308 = arith.subi %parallel_loop3A_304, %parallel_loop3A_307 : i32
        %parallel_loop3A_309 = arith.cmpi ne, %parallel_loop3A_301, %parallel_loop3A_308 : i32
        %parallel_loop3A_310 = arith.remsi %parallel_loop3A_285, %parallel_loop3A_293 : i32
        %parallel_loop3A_311 = arith.constant 0 : i32
        %parallel_loop3A_312 = arith.cmpi ne, %parallel_loop3A_310, %parallel_loop3A_311 : i32
        %parallel_loop3A_313 = arith.andi %parallel_loop3A_309, %parallel_loop3A_312 : i1
        %parallel_loop3A_314 = arith.constant 1 : i32
        %parallel_loop3A_315 = arith.subi %parallel_loop3A_294, %parallel_loop3A_314 : i32
        %parallel_loop3A_316 = arith.select %parallel_loop3A_313, %parallel_loop3A_315, %parallel_loop3A_294 : i32
        %parallel_loop3A_317 = arith.constant 8 : i32
        %parallel_loop3A_318 = arith.constant 0 : i32
        %parallel_loop3A_319 = arith.cmpi eq, %parallel_loop3A_317, %parallel_loop3A_318 : i32
        %parallel_loop3A_320 = arith.constant 1 : i32
        %parallel_loop3A_321 = arith.select %parallel_loop3A_319, %parallel_loop3A_320, %parallel_loop3A_317 : i32
        %parallel_loop3A_322 = arith.remsi %parallel_loop3A_285, %parallel_loop3A_321 : i32
        %parallel_loop3A_323 = arith.constant 0 : i32
        %parallel_loop3A_324 = arith.cmpi ne, %parallel_loop3A_322, %parallel_loop3A_323 : i32
        %parallel_loop3A_325 = arith.constant 0 : i32
        %parallel_loop3A_326 = arith.cmpi slt, %parallel_loop3A_322, %parallel_loop3A_325 : i32
        %parallel_loop3A_327 = arith.constant 0 : i32
        %parallel_loop3A_328 = arith.cmpi slt, %parallel_loop3A_321, %parallel_loop3A_327 : i32
        %parallel_loop3A_329 = arith.xori %parallel_loop3A_326, %parallel_loop3A_328 : i1
        %parallel_loop3A_330 = arith.andi %parallel_loop3A_329, %parallel_loop3A_324 : i1
        %parallel_loop3A_331 = arith.addi %parallel_loop3A_322, %parallel_loop3A_321 : i32
        %parallel_loop3A_332 = arith.select %parallel_loop3A_330, %parallel_loop3A_331, %parallel_loop3A_322 : i32
        %parallel_loop3A_333 = arith.constant 16 : i32
        %parallel_loop3A_334 = arith.muli %parallel_loop3A_332, %parallel_loop3A_333 : i32
        %parallel_loop3A_335 = arith.constant 0 : i32
        %parallel_loop3A_336 = arith.index_cast %parallel_loop3A_335 : i32 to index
        %parallel_loop3A_337 = arith.index_cast %parallel_loop3A_316 : i32 to index
        %parallel_loop3A_338 = arith.index_cast %parallel_loop3A_334 : i32 to index
        %parallel_loop3A_339 = tpu.vector_load %arg7[%parallel_loop3A_336, %parallel_loop3A_337, %parallel_loop3A_338] {strides = array<i32>} : memref<2x32x128xf32, #tpu.memory_space<vmem>>, vector<16xf32>,
        tpu.vector_store %arg7[%parallel_loop3A_336, %parallel_loop3A_337, %parallel_loop3A_338], %parallel_loop3A_292 {strides = array<i32>} : memref<2x32x128xf32, #tpu.memory_space<vmem>>, vector<16xf32>,
      } {sc.loop_unroll_factor = 8 : i64, sc.parallel_access}
      %dma_start3A_200 = arith.constant 0 : i32
      %dma_start3A_201 = arith.constant 24 : i32
      %dma_start3A_202 = arith.constant 0 : i32
      %dma_start3A_203 = arith.constant 0 : i32
      %dma_start3A_204 = arith.constant 0 : i32
      %dma_start3A_205 = tpu.memref_slice %arg7[%dma_start3A_200, %dma_start3A_203, %dma_start3A_204] : memref<2x32x128xf32, #tpu.memory_space<vmem>> -> memref<1x32x128xf32, #tpu.memory_space<vmem>>
      %dma_start3A_206 = tpu.memref_squeeze %dma_start3A_205 : memref<1x32x128xf32, #tpu.memory_space<vmem>> -> memref<32x128xf32, #tpu.memory_space<vmem>>
      %dma_start3A_207 = arith.constant 0 : i32
      %dma_start3A_208 = arith.constant 0 : i32
      %dma_start3A_209 = tpu.memref_slice %arg4[%dma_start3A_201, %select_n3A, %dma_start3A_207, %select_n3A_84, %dma_start3A_208] : memref<26x8x32x8x128xf32, #tpu.memory_space<hbm>> -> memref<1x1x32x1x128xf32, #tpu.memory_space<hbm>>
      %dma_start3A_210 = tpu.memref_squeeze %dma_start3A_209 : memref<1x1x32x1x128xf32, #tpu.memory_space<hbm>> -> memref<32x128xf32, #tpu.memory_space<hbm>>
      %dma_start3A_211 = tpu.memref_slice %arg9[%dma_start3A_202] : memref<2x!tpu.dma_semaphore, #tpu.memory_space<semaphore_mem>> -> memref<1x!tpu.dma_semaphore, #tpu.memory_space<semaphore_mem>>
      %dma_start3A_212 = tpu.memref_squeeze %dma_start3A_211 : memref<1x!tpu.dma_semaphore, #tpu.memory_space<semaphore_mem>> -> memref<!tpu.dma_semaphore, #tpu.memory_space<semaphore_mem>>
      %dma_start3A_213 = arith.constant 0 : i32
      %dma_start3A_214 = arith.constant 0 : i32
      %dma_start3A_215 = tpu.memref_slice %arg4[%dma_start3A_201, %select_n3A, %dma_start3A_213, %select_n3A_84, %dma_start3A_214] : memref<26x8x32x8x128xf32, #tpu.memory_space<hbm>> -> memref<1x1x32x1x128xf32, #tpu.memory_space<hbm>>
      %dma_start3A_216 = tpu.memref_squeeze %dma_start3A_215 : memref<1x1x32x1x128xf32, #tpu.memory_space<hbm>> -> memref<32x128xf32, #tpu.memory_space<hbm>>
      %dma_start3A_217 = arith.constant 0 : i32
      %dma_start3A_218 = arith.constant 0 : i32
      %dma_start3A_219 = tpu.memref_slice %arg7[%dma_start3A_200, %dma_start3A_217, %dma_start3A_218] : memref<2x32x128xf32, #tpu.memory_space<vmem>> -> memref<1x32x128xf32, #tpu.memory_space<vmem>>
      %dma_start3A_220 = tpu.memref_squeeze %dma_start3A_219 : memref<1x32x128xf32, #tpu.memory_space<vmem>> -> memref<32x128xf32, #tpu.memory_space<vmem>>
      tpu.enqueue_dma source(%dma_start3A_220 : memref<32x128xf32, #tpu.memory_space<vmem>>) target(%dma_start3A_216 : memref<32x128xf32, #tpu.memory_space<hbm>>) target_semaphore(%dma_start3A_212 : memref<!tpu.dma_semaphore, #tpu.memory_space<semaphore_mem>>)
      %dma_wait3A_221 = arith.constant 0 : i32
      %dma_wait3A_222 = arith.constant 1 : i32
      %dma_wait3A_223 = arith.constant 1 : i32
      %dma_wait3A_224 = arith.constant 0 : i32
      %dma_wait3A_225 = tpu.memref_slice %arg6[%dma_wait3A_222, %dma_wait3A_224] : memref<4x4096xi32, #tpu.memory_space<vmem>> -> memref<1x4096xi32, #tpu.memory_space<vmem>>
      %dma_wait3A_226 = tpu.memref_squeeze %dma_wait3A_225 : memref<1x4096xi32, #tpu.memory_space<vmem>> -> memref<4096xi32, #tpu.memory_space<vmem>>
      %dma_wait3A_227 = arith.constant 0 : i32
      %dma_wait3A_228 = tpu.memref_slice %arg2[%dma_wait3A_221, %dma_wait3A_227] : memref<26x4096xi32, #tpu.memory_space<hbm>> -> memref<1x4096xi32, #tpu.memory_space<hbm>>
      %dma_wait3A_229 = tpu.memref_squeeze %dma_wait3A_228 : memref<1x4096xi32, #tpu.memory_space<hbm>> -> memref<4096xi32, #tpu.memory_space<hbm>>
      %dma_wait3A_230 = tpu.memref_slice %arg8[%dma_wait3A_223] : memref<4x!tpu.dma_semaphore, #tpu.memory_space<semaphore_mem>> -> memref<1x!tpu.dma_semaphore, #tpu.memory_space<semaphore_mem>>
      %dma_wait3A_231 = tpu.memref_squeeze %dma_wait3A_230 : memref<1x!tpu.dma_semaphore, #tpu.memory_space<semaphore_mem>> -> memref<!tpu.dma_semaphore, #tpu.memory_space<semaphore_mem>>
      %dma_wait3A_232 = arith.constant 0 : i32
      %dma_wait3A_233 = tpu.memref_slice %arg6[%dma_wait3A_222, %dma_wait3A_232] : memref<4x4096xi32, #tpu.memory_space<vmem>> -> memref<1x4096xi32, #tpu.memory_space<vmem>>
      %dma_wait3A_234 = tpu.memref_squeeze %dma_wait3A_233 : memref<1x4096xi32, #tpu.memory_space<vmem>> -> memref<4096xi32, #tpu.memory_space<vmem>>
      %dma_wait3A_235 = arith.constant 0 : i32
      %dma_wait3A_236 = tpu.memref_slice %arg2[%dma_wait3A_221, %dma_wait3A_235] : memref<26x4096xi32, #tpu.memory_space<hbm>> -> memref<1x4096xi32, #tpu.memory_space<hbm>>
      %dma_wait3A_237 = tpu.memref_squeeze %dma_wait3A_236 : memref<1x4096xi32, #tpu.memory_space<hbm>> -> memref<4096xi32, #tpu.memory_space<hbm>>
      tpu.wait_dma2 semaphore(%dma_wait3A_231 : memref<!tpu.dma_semaphore, #tpu.memory_space<semaphore_mem>>) src(%dma_wait3A_237 : memref<4096xi32, #tpu.memory_space<hbm>>) dst(%dma_wait3A_234 : memref<4096xi32, #tpu.memory_space<vmem>>)
      %dma_wait3A_238 = arith.constant 0 : i32
      %dma_wait3A_239 = arith.constant 0 : i32
      %dma_wait3A_240 = arith.constant 0 : i32
      %dma_wait3A_241 = arith.constant 1 : i32
      %dma_wait3A_242 = arith.constant 1 : i32
      %dma_wait3A_243 = arith.constant 0 : i32
      %dma_wait3A_244 = arith.constant 0 : i32
      %dma_wait3A_245 = tpu.memref_slice %arg7[%dma_wait3A_241, %dma_wait3A_243, %dma_wait3A_244] : memref<2x32x128xf32, #tpu.memory_space<vmem>> -> memref<1x32x128xf32, #tpu.memory_space<vmem>>
      %dma_wait3A_246 = tpu.memref_squeeze %dma_wait3A_245 : memref<1x32x128xf32, #tpu.memory_space<vmem>> -> memref<32x128xf32, #tpu.memory_space<vmem>>
      %dma_wait3A_247 = arith.constant 0 : i32
      %dma_wait3A_248 = arith.constant 0 : i32
      %dma_wait3A_249 = tpu.memref_slice %arg4[%dma_wait3A_238, %dma_wait3A_239, %dma_wait3A_247, %dma_wait3A_240, %dma_wait3A_248] : memref<26x8x32x8x128xf32, #tpu.memory_space<hbm>> -> memref<1x1x32x1x128xf32, #tpu.memory_space<hbm>>
      %dma_wait3A_250 = tpu.memref_squeeze %dma_wait3A_249 : memref<1x1x32x1x128xf32, #tpu.memory_space<hbm>> -> memref<32x128xf32, #tpu.memory_space<hbm>>
      %dma_wait3A_251 = tpu.memref_slice %arg9[%dma_wait3A_242] : memref<2x!tpu.dma_semaphore, #tpu.memory_space<semaphore_mem>> -> memref<1x!tpu.dma_semaphore, #tpu.memory_space<semaphore_mem>>
      %dma_wait3A_252 = tpu.memref_squeeze %dma_wait3A_251 : memref<1x!tpu.dma_semaphore, #tpu.memory_space<semaphore_mem>> -> memref<!tpu.dma_semaphore, #tpu.memory_space<semaphore_mem>>
      %dma_wait3A_253 = arith.constant 0 : i32
      %dma_wait3A_254 = arith.constant 0 : i32
      %dma_wait3A_255 = tpu.memref_slice %arg7[%dma_wait3A_241, %dma_wait3A_253, %dma_wait3A_254] : memref<2x32x128xf32, #tpu.memory_space<vmem>> -> memref<1x32x128xf32, #tpu.memory_space<vmem>>
      %dma_wait3A_256 = tpu.memref_squeeze %dma_wait3A_255 : memref<1x32x128xf32, #tpu.memory_space<vmem>> -> memref<32x128xf32, #tpu.memory_space<vmem>>
      %dma_wait3A_257 = arith.constant 0 : i32
      %dma_wait3A_258 = arith.constant 0 : i32
      %dma_wait3A_259 = tpu.memref_slice %arg4[%dma_wait3A_238, %dma_wait3A_239, %dma_wait3A_257, %dma_wait3A_240, %dma_wait3A_258] : memref<26x8x32x8x128xf32, #tpu.memory_space<hbm>> -> memref<1x1x32x1x128xf32, #tpu.memory_space<hbm>>
      %dma_wait3A_260 = tpu.memref_squeeze %dma_wait3A_259 : memref<1x1x32x1x128xf32, #tpu.memory_space<hbm>> -> memref<32x128xf32, #tpu.memory_space<hbm>>
      tpu.wait_dma2 semaphore(%dma_wait3A_252 : memref<!tpu.dma_semaphore, #tpu.memory_space<semaphore_mem>>) src(%dma_wait3A_260 : memref<32x128xf32, #tpu.memory_space<hbm>>) dst(%dma_wait3A_256 : memref<32x128xf32, #tpu.memory_space<vmem>>)
      %parallel_loop3A_261 = arith.constant 0 : i32
      %parallel_loop3A_262 = arith.constant 256 : i32
      %parallel_loop3A_263 = arith.constant 1 : i32
      scf.for %parallel_loop3A_285 = %parallel_loop3A_261 to %parallel_loop3A_262 step %parallel_loop3A_263  : i32 {
        %parallel_loop3A_286 = arith.constant 16 : i32
        %parallel_loop3A_287 = arith.muli %parallel_loop3A_285, %parallel_loop3A_286 : i32
        %parallel_loop3A_288 = arith.constant 1 : i32
        %parallel_loop3A_289 = arith.index_cast %parallel_loop3A_288 : i32 to index
        %parallel_loop3A_290 = arith.index_cast %parallel_loop3A_287 : i32 to index
        %parallel_loop3A_291 = tpu.vector_load %arg6[%parallel_loop3A_289, %parallel_loop3A_290] {strides = array<i32>} : memref<4x4096xi32, #tpu.memory_space<vmem>>, vector<16xi32>,
        %parallel_loop3A_292 = tpu.vector_load_idx %arg5[%parallel_loop3A_291] : memref<100000xf32, #tpu.memory_space<vmem>>[vector<16xi32>], vector<16xf32>,
        %parallel_loop3A_293 = arith.constant 8 : i32
        %parallel_loop3A_294 = arith.divsi %parallel_loop3A_285, %parallel_loop3A_293 : i32
        %parallel_loop3A_295 = arith.constant 0 : i32
        %parallel_loop3A_296 = arith.cmpi sgt, %parallel_loop3A_285, %parallel_loop3A_295 : i32
        %parallel_loop3A_297 = arith.extui %parallel_loop3A_296 : i1 to i32
        %parallel_loop3A_298 = arith.constant 0 : i32
        %parallel_loop3A_299 = arith.cmpi slt, %parallel_loop3A_285, %parallel_loop3A_298 : i32
        %parallel_loop3A_300 = arith.extui %parallel_loop3A_299 : i1 to i32
        %parallel_loop3A_301 = arith.subi %parallel_loop3A_297, %parallel_loop3A_300 : i32
        %parallel_loop3A_302 = arith.constant 0 : i32
        %parallel_loop3A_303 = arith.cmpi sgt, %parallel_loop3A_293, %parallel_loop3A_302 : i32
        %parallel_loop3A_304 = arith.extui %parallel_loop3A_303 : i1 to i32
        %parallel_loop3A_305 = arith.constant 0 : i32
        %parallel_loop3A_306 = arith.cmpi slt, %parallel_loop3A_293, %parallel_loop3A_305 : i32
        %parallel_loop3A_307 = arith.extui %parallel_loop3A_306 : i1 to i32
        %parallel_loop3A_308 = arith.subi %parallel_loop3A_304, %parallel_loop3A_307 : i32
        %parallel_loop3A_309 = arith.cmpi ne, %parallel_loop3A_301, %parallel_loop3A_308 : i32
        %parallel_loop3A_310 = arith.remsi %parallel_loop3A_285, %parallel_loop3A_293 : i32
        %parallel_loop3A_311 = arith.constant 0 : i32
        %parallel_loop3A_312 = arith.cmpi ne, %parallel_loop3A_310, %parallel_loop3A_311 : i32
        %parallel_loop3A_313 = arith.andi %parallel_loop3A_309, %parallel_loop3A_312 : i1
        %parallel_loop3A_314 = arith.constant 1 : i32
        %parallel_loop3A_315 = arith.subi %parallel_loop3A_294, %parallel_loop3A_314 : i32
        %parallel_loop3A_316 = arith.select %parallel_loop3A_313, %parallel_loop3A_315, %parallel_loop3A_294 : i32
        %parallel_loop3A_317 = arith.constant 8 : i32
        %parallel_loop3A_318 = arith.constant 0 : i32
        %parallel_loop3A_319 = arith.cmpi eq, %parallel_loop3A_317, %parallel_loop3A_318 : i32
        %parallel_loop3A_320 = arith.constant 1 : i32
        %parallel_loop3A_321 = arith.select %parallel_loop3A_319, %parallel_loop3A_320, %parallel_loop3A_317 : i32
        %parallel_loop3A_322 = arith.remsi %parallel_loop3A_285, %parallel_loop3A_321 : i32
        %parallel_loop3A_323 = arith.constant 0 : i32
        %parallel_loop3A_324 = arith.cmpi ne, %parallel_loop3A_322, %parallel_loop3A_323 : i32
        %parallel_loop3A_325 = arith.constant 0 : i32
        %parallel_loop3A_326 = arith.cmpi slt, %parallel_loop3A_322, %parallel_loop3A_325 : i32
        %parallel_loop3A_327 = arith.constant 0 : i32
        %parallel_loop3A_328 = arith.cmpi slt, %parallel_loop3A_321, %parallel_loop3A_327 : i32
        %parallel_loop3A_329 = arith.xori %parallel_loop3A_326, %parallel_loop3A_328 : i1
        %parallel_loop3A_330 = arith.andi %parallel_loop3A_329, %parallel_loop3A_324 : i1
        %parallel_loop3A_331 = arith.addi %parallel_loop3A_322, %parallel_loop3A_321 : i32
        %parallel_loop3A_332 = arith.select %parallel_loop3A_330, %parallel_loop3A_331, %parallel_loop3A_322 : i32
        %parallel_loop3A_333 = arith.constant 16 : i32
        %parallel_loop3A_334 = arith.muli %parallel_loop3A_332, %parallel_loop3A_333 : i32
        %parallel_loop3A_335 = arith.constant 1 : i32
        %parallel_loop3A_336 = arith.index_cast %parallel_loop3A_335 : i32 to index
        %parallel_loop3A_337 = arith.index_cast %parallel_loop3A_316 : i32 to index
        %parallel_loop3A_338 = arith.index_cast %parallel_loop3A_334 : i32 to index
        %parallel_loop3A_339 = tpu.vector_load %arg7[%parallel_loop3A_336, %parallel_loop3A_337, %parallel_loop3A_338] {strides = array<i32>} : memref<2x32x128xf32, #tpu.memory_space<vmem>>, vector<16xf32>,
        tpu.vector_store %arg7[%parallel_loop3A_336, %parallel_loop3A_337, %parallel_loop3A_338], %parallel_loop3A_292 {strides = array<i32>} : memref<2x32x128xf32, #tpu.memory_space<vmem>>, vector<16xf32>,
      } {sc.loop_unroll_factor = 8 : i64, sc.parallel_access}
      %dma_start3A_264 = arith.constant 1 : i32
      %dma_start3A_265 = arith.constant 25 : i32
      %dma_start3A_266 = arith.constant 1 : i32
      %dma_start3A_267 = arith.constant 0 : i32
      %dma_start3A_268 = arith.constant 0 : i32
      %dma_start3A_269 = tpu.memref_slice %arg7[%dma_start3A_264, %dma_start3A_267, %dma_start3A_268] : memref<2x32x128xf32, #tpu.memory_space<vmem>> -> memref<1x32x128xf32, #tpu.memory_space<vmem>>
      %dma_start3A_270 = tpu.memref_squeeze %dma_start3A_269 : memref<1x32x128xf32, #tpu.memory_space<vmem>> -> memref<32x128xf32, #tpu.memory_space<vmem>>
      %dma_start3A_271 = arith.constant 0 : i32
      %dma_start3A_272 = arith.constant 0 : i32
      %dma_start3A_273 = tpu.memref_slice %arg4[%dma_start3A_265, %select_n3A, %dma_start3A_271, %select_n3A_84, %dma_start3A_272] : memref<26x8x32x8x128xf32, #tpu.memory_space<hbm>> -> memref<1x1x32x1x128xf32, #tpu.memory_space<hbm>>
      %dma_start3A_274 = tpu.memref_squeeze %dma_start3A_273 : memref<1x1x32x1x128xf32, #tpu.memory_space<hbm>> -> memref<32x128xf32, #tpu.memory_space<hbm>>
      %dma_start3A_275 = tpu.memref_slice %arg9[%dma_start3A_266] : memref<2x!tpu.dma_semaphore, #tpu.memory_space<semaphore_mem>> -> memref<1x!tpu.dma_semaphore, #tpu.memory_space<semaphore_mem>>
      %dma_start3A_276 = tpu.memref_squeeze %dma_start3A_275 : memref<1x!tpu.dma_semaphore, #tpu.memory_space<semaphore_mem>> -> memref<!tpu.dma_semaphore, #tpu.memory_space<semaphore_mem>>
      %dma_start3A_277 = arith.constant 0 : i32
      %dma_start3A_278 = arith.constant 0 : i32
      %dma_start3A_279 = tpu.memref_slice %arg4[%dma_start3A_265, %select_n3A, %dma_start3A_277, %select_n3A_84, %dma_start3A_278] : memref<26x8x32x8x128xf32, #tpu.memory_space<hbm>> -> memref<1x1x32x1x128xf32, #tpu.memory_space<hbm>>
      %dma_start3A_280 = tpu.memref_squeeze %dma_start3A_279 : memref<1x1x32x1x128xf32, #tpu.memory_space<hbm>> -> memref<32x128xf32, #tpu.memory_space<hbm>>
      %dma_start3A_281 = arith.constant 0 : i32
      %dma_start3A_282 = arith.constant 0 : i32
      %dma_start3A_283 = tpu.memref_slice %arg7[%dma_start3A_264, %dma_start3A_281, %dma_start3A_282] : memref<2x32x128xf32, #tpu.memory_space<vmem>> -> memref<1x32x128xf32, #tpu.memory_space<vmem>>
      %dma_start3A_284 = tpu.memref_squeeze %dma_start3A_283 : memref<1x32x128xf32, #tpu.memory_space<vmem>> -> memref<32x128xf32, #tpu.memory_space<vmem>>
      tpu.enqueue_dma source(%dma_start3A_284 : memref<32x128xf32, #tpu.memory_space<vmem>>) target(%dma_start3A_280 : memref<32x128xf32, #tpu.memory_space<hbm>>) target_semaphore(%dma_start3A_276 : memref<!tpu.dma_semaphore, #tpu.memory_space<semaphore_mem>>)
    }
    %scan3A_5 = arith.constant 2 : i32
    %dma_wait3A = arith.constant 0 : i32
    %dma_wait3A_6 = arith.constant 0 : i32
    %dma_wait3A_7 = arith.constant 0 : i32
    %dma_wait3A_8 = arith.constant 0 : i32
    %dma_wait3A_9 = arith.constant 0 : i32
    %dma_wait3A_10 = arith.constant 0 : i32
    %dma_wait3A_11 = arith.constant 0 : i32
    %dma_wait3A_12 = tpu.memref_slice %arg7[%dma_wait3A_8, %dma_wait3A_10, %dma_wait3A_11] : memref<2x32x128xf32, #tpu.memory_space<vmem>> -> memref<1x32x128xf32, #tpu.memory_space<vmem>>
    %dma_wait3A_13 = tpu.memref_squeeze %dma_wait3A_12 : memref<1x32x128xf32, #tpu.memory_space<vmem>> -> memref<32x128xf32, #tpu.memory_space<vmem>>
    %dma_wait3A_14 = arith.constant 0 : i32
    %dma_wait3A_15 = arith.constant 0 : i32
    %dma_wait3A_16 = tpu.memref_slice %arg4[%dma_wait3A, %dma_wait3A_6, %dma_wait3A_14, %dma_wait3A_7, %dma_wait3A_15] : memref<26x8x32x8x128xf32, #tpu.memory_space<hbm>> -> memref<1x1x32x1x128xf32, #tpu.memory_space<hbm>>
    %dma_wait3A_17 = tpu.memref_squeeze %dma_wait3A_16 : memref<1x1x32x1x128xf32, #tpu.memory_space<hbm>> -> memref<32x128xf32, #tpu.memory_space<hbm>>
    %dma_wait3A_18 = tpu.memref_slice %arg9[%dma_wait3A_9] : memref<2x!tpu.dma_semaphore, #tpu.memory_space<semaphore_mem>> -> memref<1x!tpu.dma_semaphore, #tpu.memory_space<semaphore_mem>>
    %dma_wait3A_19 = tpu.memref_squeeze %dma_wait3A_18 : memref<1x!tpu.dma_semaphore, #tpu.memory_space<semaphore_mem>> -> memref<!tpu.dma_semaphore, #tpu.memory_space<semaphore_mem>>
    %dma_wait3A_20 = arith.constant 0 : i32
    %dma_wait3A_21 = arith.constant 0 : i32
    %dma_wait3A_22 = tpu.memref_slice %arg7[%dma_wait3A_8, %dma_wait3A_20, %dma_wait3A_21] : memref<2x32x128xf32, #tpu.memory_space<vmem>> -> memref<1x32x128xf32, #tpu.memory_space<vmem>>
    %dma_wait3A_23 = tpu.memref_squeeze %dma_wait3A_22 : memref<1x32x128xf32, #tpu.memory_space<vmem>> -> memref<32x128xf32, #tpu.memory_space<vmem>>
    %dma_wait3A_24 = arith.constant 0 : i32
    %dma_wait3A_25 = arith.constant 0 : i32
    %dma_wait3A_26 = tpu.memref_slice %arg4[%dma_wait3A, %dma_wait3A_6, %dma_wait3A_24, %dma_wait3A_7, %dma_wait3A_25] : memref<26x8x32x8x128xf32, #tpu.memory_space<hbm>> -> memref<1x1x32x1x128xf32, #tpu.memory_space<hbm>>
    %dma_wait3A_27 = tpu.memref_squeeze %dma_wait3A_26 : memref<1x1x32x1x128xf32, #tpu.memory_space<hbm>> -> memref<32x128xf32, #tpu.memory_space<hbm>>
    tpu.wait_dma2 semaphore(%dma_wait3A_19 : memref<!tpu.dma_semaphore, #tpu.memory_space<semaphore_mem>>) src(%dma_wait3A_27 : memref<32x128xf32, #tpu.memory_space<hbm>>) dst(%dma_wait3A_23 : memref<32x128xf32, #tpu.memory_space<vmem>>)
    %dma_wait3A_28 = arith.constant 0 : i32
    %dma_wait3A_29 = arith.constant 0 : i32
    %dma_wait3A_30 = arith.constant 0 : i32
    %dma_wait3A_31 = arith.constant 1 : i32
    %dma_wait3A_32 = arith.constant 1 : i32
    %dma_wait3A_33 = arith.constant 0 : i32
    %dma_wait3A_34 = arith.constant 0 : i32
    %dma_wait3A_35 = tpu.memref_slice %arg7[%dma_wait3A_31, %dma_wait3A_33, %dma_wait3A_34] : memref<2x32x128xf32, #tpu.memory_space<vmem>> -> memref<1x32x128xf32, #tpu.memory_space<vmem>>
    %dma_wait3A_36 = tpu.memref_squeeze %dma_wait3A_35 : memref<1x32x128xf32, #tpu.memory_space<vmem>> -> memref<32x128xf32, #tpu.memory_space<vmem>>
    %dma_wait3A_37 = arith.constant 0 : i32
    %dma_wait3A_38 = arith.constant 0 : i32
    %dma_wait3A_39 = tpu.memref_slice %arg4[%dma_wait3A_28, %dma_wait3A_29, %dma_wait3A_37, %dma_wait3A_30, %dma_wait3A_38] : memref<26x8x32x8x128xf32, #tpu.memory_space<hbm>> -> memref<1x1x32x1x128xf32, #tpu.memory_space<hbm>>
    %dma_wait3A_40 = tpu.memref_squeeze %dma_wait3A_39 : memref<1x1x32x1x128xf32, #tpu.memory_space<hbm>> -> memref<32x128xf32, #tpu.memory_space<hbm>>
    %dma_wait3A_41 = tpu.memref_slice %arg9[%dma_wait3A_32] : memref<2x!tpu.dma_semaphore, #tpu.memory_space<semaphore_mem>> -> memref<1x!tpu.dma_semaphore, #tpu.memory_space<semaphore_mem>>
    %dma_wait3A_42 = tpu.memref_squeeze %dma_wait3A_41 : memref<1x!tpu.dma_semaphore, #tpu.memory_space<semaphore_mem>> -> memref<!tpu.dma_semaphore, #tpu.memory_space<semaphore_mem>>
    %dma_wait3A_43 = arith.constant 0 : i32
    %dma_wait3A_44 = arith.constant 0 : i32
    %dma_wait3A_45 = tpu.memref_slice %arg7[%dma_wait3A_31, %dma_wait3A_43, %dma_wait3A_44] : memref<2x32x128xf32, #tpu.memory_space<vmem>> -> memref<1x32x128xf32, #tpu.memory_space<vmem>>
    %dma_wait3A_46 = tpu.memref_squeeze %dma_wait3A_45 : memref<1x32x128xf32, #tpu.memory_space<vmem>> -> memref<32x128xf32, #tpu.memory_space<vmem>>
    %dma_wait3A_47 = arith.constant 0 : i32
    %dma_wait3A_48 = arith.constant 0 : i32
    %dma_wait3A_49 = tpu.memref_slice %arg4[%dma_wait3A_28, %dma_wait3A_29, %dma_wait3A_47, %dma_wait3A_30, %dma_wait3A_48] : memref<26x8x32x8x128xf32, #tpu.memory_space<hbm>> -> memref<1x1x32x1x128xf32, #tpu.memory_space<hbm>>
    %dma_wait3A_50 = tpu.memref_squeeze %dma_wait3A_49 : memref<1x1x32x1x128xf32, #tpu.memory_space<hbm>> -> memref<32x128xf32, #tpu.memory_space<hbm>>
    tpu.wait_dma2 semaphore(%dma_wait3A_42 : memref<!tpu.dma_semaphore, #tpu.memory_space<semaphore_mem>>) src(%dma_wait3A_50 : memref<32x128xf32, #tpu.memory_space<hbm>>) dst(%dma_wait3A_46 : memref<32x128xf32, #tpu.memory_space<vmem>>)
    return
  }
}

</mosaic_0001>

<sc_bundles>
// kernel: kernel.3.cloned.1.call-start
scs
__scs_entry_jumppad:
0x0: {  	(pc) =	sbr.rel $0x88, $3  }
0x1: {  	(tag) =	ssettag $0x0;
	lr =	simm.s32 $0x1  }
0x2: {  	[smem:$0x3F9F] =	sst lr;
	_ =	strace $0xD0000000  }
0x3: {  	_ = 	snop  }
0x4: {  	_ = 	snop  }
0x5: {  	_ = 	snop  }
0x6: {  	_ = 	snop  }
0x7: {  	_ = 	snop  }
__scs_overlays_trampoline_lowered:
0x8: {  	[smem:$0x3FAE] =	sst s0  }
0x9: {  	[smem:$0x3FAF] =	sst s1  }
0xa: {  	[smem:$0x3FB0] =	sst s2  }
0xb: {  	[smem:$0x3FB1] =	sst s3  }
0xc: {  	[smem:$0x3FB2] =	sst s4  }
0xd: {  	[smem:$0x3FB3] =	sst s5  }
0xe: {  	[smem:$0x3FB4] =	sst s6  }
0xf: {  	[smem:$0x3FB5] =	sst s7  }
0x10: {  	[smem:$0x3FB6] =	sst s8  }
0x11: {  	[smem:$0x3FB7] =	sst s9;
	s0 =	simm.s32 @!p0 $0x0  }
0x12: {  	s1 =	sld [smem:$0x3F9D];
	s0 =	simm.s32 @p0 $0x1  }
0x13: {  	[smem:$0x3FB8] =	sst s0;
	s0 =	simm.s32 @!p1 $0x0  }
0x14: {  	s2 =	sld [smem:$0x3F9C];
	s0 =	simm.s32 @p1 $0x1  }
0x15: {  	[smem:$0x3FB9] =	sst s0;
	s0 =	simm.s32 @!p2 $0x0  }
0x16: {  	s3 =	sld [smem:$0x3FDB];
	s0 =	simm.s32 @p2 $0x1  }
0x17: {  	s4 =	simm.s32 $0x1BF5;
	[smem:$0x3FBB] =	sst s0  }
0x18: {  	s0 =	sld [smem:$0x3F9E];
	_ =	swait.ge [sflag:s4], $0x0  }
0x19: {  	s7 =	sld [smem:$0x3F9F]  }
0x1a: {  	s8 =	sadd.s32 $0xFFFFE003, lr  }
0x1b: {  	s9 =	sadd.s32 $0xFFFFFEF7, lr;
	s5 =	simm.s32 $0xFFFFFFFF;
	p2 =	slt.u32 s8, $0xFFFFF086  }
0x1c: {  	p1 =	slt.u32 s9, $0xF7A;
	s5 =	simm.s32 @!p2 $0x0  }
0x1d: {  	s5 =	simm.s32 @p1 $0x1;
	p0 =	seq.s32 s7, s2  }
0x1e: {  	s7 =	smul.u32 @!p0 $0xF7A, s2;
	p2 =	seq.s32 @!p0 s5, $0x0  }
0x1f: {  	s9 =	smul.u32 $0xF7A, s1;
	s8 =	simm.s32 @!p0 $0x1BF5;
	p2 =	por !p2, p0  }
0x20: {  	[sflag:s8] =	ssyncset.s32 @!p0 $0xFFFFF086;
	s6 =	sadd.s32 @!p0 s3, s7;
	s7 =	simm.s32 @!p0 $0x108  }
0x21: {  	s3 =	sadd.s32 s3, s9;
	s6 =	sadd.s32 @!p0 $0x88, s6;
	s7 =	simm.s32 @p2 $0x1082  }
0x22: {  	[simem:s7], [sflag:s8] =	dma.local @!p0 [hbm:s6], $0xF7A  }
0x23: {  	s9 =	sor.u32 $0xD0000000, s2;
	s6 =	simm.s32 $0x108;
	_ =	swait.ge @!p0 [sflag:s8], $0x0  }
0x24: {  	s3 =	sadd.s32 $0x88, s3;
	s6 =	simm.s32 @!p1 $0x1082;
	[sflag:s4] =	ssyncset.s32 $0xFFFFF086  }
0x25: {  	[simem:s6], [sflag:s4] =	dma.local [hbm:s3], $0xF7A  }
0x26: {  	[smem:$0x3F9F] =	sst s1;
	(tag) =	ssettag s2;
	_ =	strace s9  }
0x27: {  	s1 =	sld [smem:$0x3FAF]  }
0x28: {  	s2 =	sld [smem:$0x3FB0]  }
0x29: {  	s4 =	sld [smem:$0x3FB2]  }
0x2a: {  	p0 =	seq.s32 s5, $0x0;
	s5 =	sld [smem:$0x3FB3]  }
0x2b: {  	s6 =	sld [smem:$0x3FB4]  }
0x2c: {  	s7 =	sld [smem:$0x3FB5]  }
0x2d: {  	s3 =	simm.s32 $0x108;
	s8 =	sld [smem:$0x3FB6]  }
0x2e: {  	s3 =	simm.s32 @!p0 $0x1082;
	s9 =	sld [smem:$0x3FB7]  }
0x2f: {  	lr =	sadd.s32 s0, s3;
	s0 =	sld [smem:$0x3FAE]  }
0x30: {  	s3 =	sld [smem:$0x3FB1]  }
0x31: {  	[smem:$0x3FBA] =	sst s10  }
0x32: {  	s10 =	sld [smem:$0x3FB8];
	_ =	sdelay $0x3  }
0x33: {  	p0 =	seq.s32 s10, $0x1;
	s10 =	sld [smem:$0x3FBA];
	_ =	sdelay $0x3  }
0x34: {  	[smem:$0x3FBA] =	sst s10  }
0x35: {  	s10 =	sld [smem:$0x3FB9];
	_ =	sdelay $0x3  }
0x36: {  	p1 =	seq.s32 s10, $0x1;
	s10 =	sld [smem:$0x3FBA];
	_ =	sdelay $0x3  }
0x37: {  	[smem:$0x3FBA] =	sst s10  }
0x38: {  	s10 =	sld [smem:$0x3FBB]  }
0x39: {  	_ = 	snop;
	(pc) =	sbr.ind lr, $3  }
0x3a: {  	_ = 	snop  }
0x3b: {  	_ = 	snop  }
0x3c: {  	p2 =	seq.s32 s10, $0x1;
	s10 =	sld [smem:$0x3FBA]  }
0x3d: {  	_ =	shalt  }
0x3e: {  	_ =	shalt  }
0x3f: {  	_ =	shalt  }
0x40: {  	_ =	shalt  }
0x41: {  	_ =	shalt  }
0x42: {  	_ =	shalt  }
0x43: {  	_ =	shalt  }
0x44: {  	_ =	shalt  }
0x45: {  	_ =	shalt  }
0x46: {  	_ =	shalt  }
0x47: {  	_ =	shalt  }
0x48: {  	_ =	shalt  }
0x49: {  	_ =	shalt  }
0x4a: {  	_ =	shalt  }
0x4b: {  	_ =	shalt  }
0x4c: {  	_ =	shalt  }
0x4d: {  	_ =	shalt  }
0x4e: {  	_ =	shalt  }
0x4f: {  	_ =	shalt  }
0x50: {  	_ =	shalt  }
0x51: {  	_ =	shalt  }
0x52: {  	_ =	shalt  }
0x53: {  	_ =	shalt  }
0x54: {  	_ =	shalt  }
0x55: {  	_ =	shalt  }
0x56: {  	_ =	shalt  }
0x57: {  	_ =	shalt  }
0x58: {  	_ =	shalt  }
0x59: {  	_ =	shalt  }
0x5a: {  	_ =	shalt  }
0x5b: {  	_ =	shalt  }
0x5c: {  	_ =	shalt  }
0x5d: {  	_ =	shalt  }
0x5e: {  	_ =	shalt  }
0x5f: {  	_ =	shalt  }
0x60: {  	_ =	shalt  }
0x61: {  	_ =	shalt  }
0x62: {  	_ =	shalt  }
0x63: {  	_ =	shalt  }
0x64: {  	_ =	shalt  }
0x65: {  	_ =	shalt  }
0x66: {  	_ =	shalt  }
0x67: {  	_ =	shalt  }
0x68: {  	_ =	shalt  }
0x69: {  	_ =	shalt  }
0x6a: {  	_ =	shalt  }
0x6b: {  	_ =	shalt  }
0x6c: {  	_ =	shalt  }
0x6d: {  	_ =	shalt  }
0x6e: {  	_ =	shalt  }
0x6f: {  	_ =	shalt  }
0x70: {  	_ =	shalt  }
0x71: {  	_ =	shalt  }
0x72: {  	_ =	shalt  }
0x73: {  	_ =	shalt  }
0x74: {  	_ =	shalt  }
0x75: {  	_ =	shalt  }
0x76: {  	_ =	shalt  }
0x77: {  	_ =	shalt  }
0x78: {  	_ =	shalt  }
0x79: {  	_ =	shalt  }
0x7a: {  	_ =	shalt  }
0x7b: {  	_ =	shalt  }
0x7c: {  	_ =	shalt  }
0x7d: {  	_ =	shalt  }
0x7e: {  	_ =	shalt  }
0x7f: {  	_ =	shalt  }
0x80: {  	_ =	shalt  }
0x81: {  	_ =	shalt  }
0x82: {  	_ =	shalt  }
0x83: {  	_ =	shalt  }
0x84: {  	_ =	shalt  }
0x85: {  	_ =	shalt  }
0x86: {  	_ =	shalt  }
0x87: {  	_ =	shalt  }
.Lfunc_end0:
.L_simem_size_0:
called_computation_lowered:
.L_overlay_start_0:
0x88: {  	s2 =	sld [smem:$0x3FD9]  }
0x89: {  	s3 =	sld [smem:$0x3FFE];
	_ =	sdelay $0x1  }
0x8a: {  	s1 =	srdreg.scid  }
0x8b: {  	s0 =	sand.u32 $0x1, s1  }
0x8c: {  	s17 =	sshll.u32 s0, $0xA;
	s2 =	sadd.s32 s3, s2  }
0x8d: {  	s2 =	sadd.s32 s2, s17  }
0x8e: {  	[smem:$0x3FC6] =	sst s2  }
0x8f: {  	_ = 	snop  }
0x90: {  	s2 =	sld [smem:$0x3FD0];
	(tm) =	ssettm $0x1  }
0x91: {  	s18 =	sld [smem:$0x3FFB];
	_ =	sdelay $0x3  }
0x92: {  	_ =	strace s18  }
0x93: {  	s3 =	sld [smem:$0x3FFC];
	_ =	sdelay $0x3  }
0x94: {  	_ =	strace s3  }
0x95: {  	s3 =	sld [smem:$0x3FFD];
	_ =	sdelay $0x3  }
0x96: {  	_ =	strace s3  }
0x97: {  	_ =	strace $0x8FFFFFFF  }
0x98: {  	s19 =	sld [smem:$0x3FDB];
	_ =	sdelay $0x1  }
0x99: {  	s4 =	simm.s32 $_scs_section_size  }
0x9a: {  	s5 =	simm.s32 $_size__tile_overlayer_lowered;
	s6 =	simm.s32 $_tile_overlayer_lowered  }
0x9b: {  	s22 =	simm.s32 $0x1BFF;
	s21 =	sshll.u32 s6, $0x1;
	s3 =	sadd.s32 s4, s19  }
0x9c: {  	s7 =	simm.s32 $0x0;
	s20 =	sshll.u32 s5, $0x1;
	s5 =	sadd.s32 s21, s3  }
0x9d: {  	[timem:s7], [sflag:s22] =	dma.local [hbm:s5], s20  }
0x9e: {  	_ =	swait.ge [sflag:s22], s20  }
0x9f: {  	s4 =	ssub.s32 $0x0, s20;
	[sflag:s22] =	ssyncset.done $0x0  }
0xa0: {  	[sflag:s22] =	ssyncadd.s32 s4;
	_ =	sdelay $0x1  }
0xa1: {  	s23 =	simm.s32 $0x1B8B  }
0xa2: {  	_ =	swait.ge [sflag:s23], $0x1  }
0xa3: {  	[sflag:s23] =	ssyncset.done $0x0  }
0xa4: {  	s25 =	simm.s32 $0x1B8E;
	s24 =	sld [smem:$0x3FFE];
	[sflag:s23] =	ssyncadd.s32 $0xFFFFFFFF  }
0xa5: {  	s26 =	simm.s32 $execute0_lowered;
	[smem:$0x3FD2] =	sst s25  }
0xa6: {  	s5 =	sshll.u32 s26, $0x1;
	_ =	strace $0x80000046;
	[dreg:$0x1] =	wrdreg $0xFFFFFFFF  }
0xa7: {  	s28 =	simm.s32 $_size_execute0_lowered;
	s3 =	sadd.s32 s3, s5;
	[dreg:$0x0] =	wrdreg $0x0  }
0xa8: {  	s5 =	sshll.u32 s28, $0x1;
	[dreg:$0x2] =	wrdreg s3  }
0xa9: {  	[dreg:$0x3] =	wrdreg s5  }
0xaa: {  	[dreg:$0x4] =	wrdreg $0xC0  }
0xab: {  	_ =	task [dreg:s7], $0x5FFFF  }
0xac: {  	[dreg:$0x1] =	wrdreg $0xFFFFFFFF  }
0xad: {  	[dreg:$0x0] =	wrdreg $0x60  }
0xae: {  	[dreg:$0x2] =	wrdreg s24  }
0xaf: {  	[dreg:$0x3] =	wrdreg s2  }
0xb0: {  	[dreg:$0x4] =	wrdreg $0x9  }
0xb1: {  	_ =	task.clear_ibuf [dreg:s7], $0x5FFFF;
	_ =	strace $0x90000046  }
0xb2: {  	s29 =	simm.s32 $0x9;
	_ =	strace $0x80000048  }
0xb3: {  	_ =	swait.ge [sflag:s29], $0x1  }
0xb4: {  	[sflag:s29] =	ssyncadd.s32 $0xFFFFFFFF  }
0xb5: {  	_ =	strace $0x90000048  }
0xb6: {  	_ =	sfence  }
0xb7: {  	s30 =	sld [smem:$0x0];
	_ =	sdelay $0x2  }
0xb8: {  	s31 =	sshll.u32 s1, $0xD;
	s1 =	sshrl.u32 s1, $0x2  }
0xb9: {  	s3 =	sand.u32 $0x4000, s31;
	s1 =	sadd.s32 s1, s30  }
0xba: {  	s0 =	sor.u32 s3, s0;
	s1 =	sshll.u32 s1, $0x11  }
0xbb: {  	s0 =	sor.u32 s1, s0  }
0xbc: {  	s0 =	sadd.s32 $0x8F2B, s0  }
0xbd: {  	[sflag:s0] =	ssyncadd.remote.s32 $0x1  }
0xbe: {  	_ =	sfence.sel $0xFFFF  }
0xbf: {  	[dreg:$0x0] =	wrdreg $0xFFFFFFFF;
	(pc) =	sbr.abs _section_cstart, $3  }
0xc0: {  	[dreg:$0x1] =	wrdreg $0xFFFFFFFF  }
0xc1: {  	_ =	task.clear_ibuf [dreg:s7], $0x2FFFF;
	_ =	strace $0x9FFFFFFF  }
0xc2: {  	(tm) =	ssettm $0x7FFFFFFF  }
0xc3: {  	_ =	shalt  }
tec
execute0_lowered:
.L_overlay_start_1:
0x0: {  	(tag) =	ssettag $0x1  }
0x1: {  	s0 =	rddreg [dreg:$0x0]  }
0x2: {  	s1 =	rddreg [dreg:$0x1]  }
0x3: {  	s2 =	simm.s32 $0x0;
	s3 =	srdreg.scid;
	s7 =	stileid.u32  }
0x4: {  	s28 =	simm.s32 $0x400;
	s29 =	simm.s32 $0x1C6A0;
	s30 =	simm.s32 $0x2  }
0x5: {  	s31 =	simm.s32 $0x1D6A0;
	[smem:$0x7FF] =	sst s2;
	s3 =	sand.u32 $0x1, s3  }
0x6: {  	s4 =	sadd.s32 $0x400, s0;
	s6 =	sshll.u32 s7, $0x2;
	s8 =	sadd.s32 $0x3800, s0  }
0x7: {  	s20 =	sshrl.u32 s7, $0x1;
	s21 =	sadd.s32 $0x600, s0;
	s22 =	sadd.s32 $0x800, s0  }
0x8: {  	s23 =	sadd.s32 $0xA00, s0;
	s11 =	sadd.s32 $0xC00, s0;
	s12 =	sadd.s32 $0x8000, s1  }
0x9: {  	s13 =	sadd.s32 $0xE00, s0;
	_ =	strace $0x80000047;
	[dreg:$0x3] =	wrdreg s4  }
0xa: {  	s14 =	sadd.s32 $0x1000, s0;
	s15 =	sadd.s32 $0x1200, s0;
	[dreg:$0x4] =	wrdreg s8  }
0xb: {  	s17 =	sadd.s32 $0xC0000, s1;
	s18 =	sadd.s32 $0xC8000, s1;
	[dreg:$0x6] =	wrdreg s21  }
0xc: {  	s0 =	simm.s32 $0x3;
	s19 =	ssub.s32 $0x2, s3;
	[dreg:$0x7] =	wrdreg s22  }
0xd: {  	s3 =	sshll.u32 s3, $0x1;
	[dreg:$0x8] =	wrdreg s23;
	s24 =	sshll.u32 s20, $0xF  }
0xe: {  	s25 =	sshll.u32 s20, $0xC;
	s20 =	simm.s32 $0x7;
	s21 =	simm.s32 $0x186A0  }
0xf: {  	s22 =	simm.s32 $0x196A0;
	s23 =	simm.s32 $0x6;
	[dreg:$0x9] =	wrdreg s24  }
0x10: {  	s5 =	sshrl.u32 s19, $0x1;
	s3 =	sor.u32 s3, s6;
	[dreg:$0xa] =	wrdreg s25  }
0x11: {  	s25 =	simm.s32 $0x1;
	s4 =	ssub.s32 s19, s5;
	[dreg:$0x5] =	wrdreg s3  }
0x12: {  	s3 =	simm.s32 $0x5;
	s19 =	simm.s32 $0x4;
	s26 =	smax.u32 s4, $0x1  }
0x13: {  	s5 =	simm.s32 $0x0;
	[dreg:$0xb] =	wrdreg s26;
	s26 =	simm.s32 $0x80  }
.LBB2_1:
0x14: {  	[dreg:$0xc] =	wrdreg s5  }
0x15: {  	p2 =	por $0x1, $0x1;
	p1 =	por $0x0, $0x0;
	s4 =	simm.s32 $0x0  }
.LBB2_2:
0x16: {  	s5 =	rddreg [dreg:$0x5]  }
0x17: {  	s5 =	sor.u32 s5, s4  }
0x18: {  	s4 =	smul.u32 $0x30D4, s5  }
0x19: {  	s6 =	rddreg [dreg:$0x4]  }
0x1a: {  	s6 =	sadd.s32 s6, s4;
	s4 =	simm.s32 $0x0  }
0x1b: {  	[tilespmem:s4], [sflag:$0x7] =	stream.linear.gather [hbm4b:s6+s4], $0x186A0, $0x38;
	[tilespmem:$0x1E6A0] =	vst v63  }
0x1c: {  	_ =	swait.ge [sflag:s20], $0x186A0  }
0x1d: {  	[sflag:s20] =	ssyncset.done $0x0  }
0x1e: {  	s10 =	rddreg [dreg:$0x3];
	[sflag:s20] =	ssyncadd.s32 $0xFFFE7960  }
0x1f: {  	[tilespmem:s21], [sflag:$0x1] =	stream.linear.gather [hbm4b:s10+s4], $0x1000, $0x38;
	[tilespmem:$0x1E6A0] =	vst v63  }
0x20: {  	s16 =	rddreg [dreg:$0x6]  }
0x21: {  	[tilespmem:s22], [sflag:$0x2] =	stream.linear.gather [hbm4b:s16+s4], $0x1000, $0x38;
	[tilespmem:$0x1E6A0] =	vst v63  }
0x22: {  	s7 =	simm.s32 $0x1A6A0;
	s24 =	rddreg [dreg:$0x7]  }
0x23: {  	[tilespmem:s7], [sflag:$0x3] =	stream.linear.gather [hbm4b:s24+s4], $0x1000, $0x38;
	[tilespmem:$0x1E6A0] =	vst v63  }
0x24: {  	s8 =	rddreg [dreg:$0x8];
	s24 =	sand.u32 $0x7, s5  }
0x25: {  	s9 =	simm.s32 $0x1B6A0;
	s16 =	rddreg [dreg:$0x9];
	s10 =	sshll.u32 s24, $0x7  }
0x26: {  	[tilespmem:s9], [sflag:$0x4] =	stream.linear.gather [hbm4b:s8+s4], $0x1000, $0x38;
	[tilespmem:$0x1E6A0] =	vst v63  }
0x27: {  	p0 =	por p2, p2;
	s5 =	sor.u32 s10, s16  }
.LBB2_3:
0x28: {  	p2 =	sne.s32 s4, $0x0;
	_ =	swait.ge [sflag:s25], $0x1000  }
0x29: {  	p2 =	por p1, p2;
	[sflag:s25] =	ssyncset.done $0x0  }
0x2a: {  	[sflag:s25] =	ssyncadd.s32 $0xFFFFF000;
	s6 =	simm.s32 @p2 $0x5  }
0x2b: {  	_ =	swait.ge @p2 [sflag:s6], $0x1000  }
0x2c: {  	[sflag:s6] =	ssyncset.done @p2 $0x0  }
0x2d: {  	s16 =	simm.s32 $0x186E0;
	[sflag:s6] =	ssyncadd.s32 @p2 $0xFFFFF000  }
0x2e: {  	v0 =	vld [tilespmem:s16+$0x30]  }
0x2f: {  	v1 =	vld [tilespmem:s16+$0xFFFFFFD0]  }
0x30: {  	v2 =	vld [tilespmem:s16+$0xFFFFFFE0]  }
0x31: {  	v3 =	vld [tilespmem:s16+$0xFFFFFFF0]  }
0x32: {  	v6 =	vld [tilespmem:s16+$0x0]  }
0x33: {  	v7 =	vld [tilespmem:s16+$0x10]  }
0x34: {  	v8 =	vld [tilespmem:s16+$0x20]  }
0x35: {  	v9 =	vld [tilespmem:s16+$0xFFFFFFC0]  }
0x36: {  	v10 =	vld.idx.msk [tilespmem:v0+s2+$0x0], $0xffff  }
0x37: {  	v11 =	vld.idx.msk [tilespmem:v1+s2+$0x0], $0xffff  }
0x38: {  	v5 =	vld.idx.msk [tilespmem:v2+s2+$0x0], $0xffff  }
0x39: {  	v4 =	vld.idx.msk [tilespmem:v3+s2+$0x0], $0xffff  }
0x3a: {  	v2 =	vld.idx.msk [tilespmem:v6+s2+$0x0], $0xffff  }
0x3b: {  	s7 =	simm.s32 $0x1C6E0;
	v1 =	vld.idx.msk [tilespmem:v7+s2+$0x0], $0xffff  }
0x3c: {  	v0 =	vld.idx.msk [tilespmem:v8+s2+$0x0], $0xffff;
	[tilespmem:s7+$0x30] =	vst v10  }
0x3d: {  	s8 =	simm.s32 $0x0;
	s9 =	simm.s32 $0x18760;
	s6 =	sshll.u32 s4, $0x2;
	v3 =	vld.idx.msk [tilespmem:v9+s2+$0x0], $0xffff;
	[tilespmem:s7+$0xFFFFFFD0] =	vst v11  }
.LBB2_4:
0x3e: {  	v6 =	vld [tilespmem:s9+$0x30];
	s8 =	sadd.s32 $0x8, s8;
	[tilespmem:s7+$0xFFFFFFE0] =	vst v5  }
0x3f: {  	v5 =	vld [tilespmem:s9+$0xFFFFFFD0];
	p3 =	slt.u32 s8, $0xF8;
	[tilespmem:s7+$0xFFFFFFF0] =	vst v4  }
0x40: {  	v4 =	vld [tilespmem:s9+$0xFFFFFFE0];
	[tilespmem:s7+$0x0] =	vst v2  }
0x41: {  	v2 =	vld [tilespmem:s9+$0xFFFFFFF0];
	[tilespmem:s7+$0x10] =	vst v1  }
0x42: {  	v1 =	vld [tilespmem:s9+$0x0];
	[tilespmem:s7+$0x20] =	vst v0  }
0x43: {  	v0 =	vld [tilespmem:s9+$0x10];
	[tilespmem:s7+$0xFFFFFFC0] =	vst v3  }
0x44: {  	v3 =	vld [tilespmem:s9+$0x20]  }
0x45: {  	v7 =	vld [tilespmem:s9+$0xFFFFFFC0]  }
0x46: {  	v6 =	vld.idx.msk [tilespmem:v6+s2+$0x0], $0xffff  }
0x47: {  	v8 =	vld.idx.msk [tilespmem:v5+s2+$0x0], $0xffff  }
0x48: {  	v5 =	vld.idx.msk [tilespmem:v4+s2+$0x0], $0xffff  }
.Ltmp0:
0x49: {  	v4 =	vld.idx.msk [tilespmem:v2+s2+$0x0], $0xffff;
	(pc) =	sbr.rel @p3 .LBB2_4-.Ltmp0, $4  }
0x4a: {  	v2 =	vld.idx.msk [tilespmem:v1+s2+$0x0], $0xffff  }
0x4b: {  	s7 =	sadd.s32 $0x80, s7;
	v1 =	vld.idx.msk [tilespmem:v0+s2+$0x0], $0xffff  }
0x4c: {  	v0 =	vld.idx.msk [tilespmem:v3+s2+$0x0], $0xffff;
	[tilespmem:s7+$0x30] =	vst v6  }
0x4d: {  	s9 =	sadd.s32 $0x80, s9;
	v3 =	vld.idx.msk [tilespmem:v7+s2+$0x0], $0xffff;
	[tilespmem:s7+$0xFFFFFFD0] =	vst v8  }
0x4e: {  	[tilespmem:s7+$0xFFFFFFE0] =	vst v5  }
0x4f: {  	[tilespmem:s7+$0xFFFFFFF0] =	vst v4  }
0x50: {  	s8 =	sshll.u32 s4, $0x14;
	[tilespmem:s7+$0x0] =	vst v2  }
0x51: {  	s8 =	sor.u32 s5, s8;
	[tilespmem:s7+$0x10] =	vst v1  }
0x52: {  	s8 =	sshrl.u32 s8, $0x3;
	[tilespmem:s7+$0x20] =	vst v0  }
0x53: {  	s10 =	sadd.s32 s1, s8;
	[tilespmem:s7+$0xFFFFFFC0] =	vst v3;
	s7 =	sshll.u32 s4, $0xB  }
0x54: {  	[hbm4b:s10+s26] =	stream.strided.scatter [tilespmem:s29], [sflag:$0x5], $0x1000, s28, s26, $0x38;
	[tilespmem:$0x1E6A0] =	vst v63  }
0x55: {  	s9 =	sadd.s32 s7, s11  }
0x56: {  	[tilespmem:s21], [sflag:$0x1] =	stream.linear.gather [hbm4b:s9+s2], $0x1000, $0x38;
	[tilespmem:$0x1E6A0] =	vst v63  }
0x57: {  	_ =	swait.ge [sflag:s30], $0x1000  }
0x58: {  	[sflag:s30] =	ssyncset.done $0x0  }
0x59: {  	s9 =	simm.s32 @p2 $0x6;
	[sflag:s30] =	ssyncadd.s32 $0xFFFFF000  }
0x5a: {  	_ =	swait.ge @p2 [sflag:s9], $0x1000  }
0x5b: {  	[sflag:s9] =	ssyncset.done @p2 $0x0  }
0x5c: {  	s16 =	simm.s32 $0x19710;
	[sflag:s9] =	ssyncadd.s32 @p2 $0xFFFFF000  }
0x5d: {  	v0 =	vld [tilespmem:s16+$0x0]  }
0x5e: {  	v1 =	vld [tilespmem:s16+$0xFFFFFFA0]  }
0x5f: {  	v2 =	vld [tilespmem:s16+$0xFFFFFFB0]  }
0x60: {  	v3 =	vld [tilespmem:s16+$0xFFFFFFC0]  }
0x61: {  	v4 =	vld [tilespmem:s16+$0xFFFFFFD0]  }
0x62: {  	v6 =	vld [tilespmem:s16+$0xFFFFFFE0]  }
0x63: {  	v7 =	vld [tilespmem:s16+$0xFFFFFFF0]  }
0x64: {  	v8 =	vld [tilespmem:s16+$0xFFFFFF90]  }
0x65: {  	v9 =	vld.idx.msk [tilespmem:v0+s2+$0x0], $0xffff  }
0x66: {  	v10 =	vld.idx.msk [tilespmem:v1+s2+$0x0], $0xffff  }
0x67: {  	v5 =	vld.idx.msk [tilespmem:v2+s2+$0x0], $0xffff  }
0x68: {  	v3 =	vld.idx.msk [tilespmem:v3+s2+$0x0], $0xffff  }
0x69: {  	v0 =	vld.idx.msk [tilespmem:v4+s2+$0x0], $0xffff  }
0x6a: {  	s9 =	simm.s32 $0x1D710;
	v1 =	vld.idx.msk [tilespmem:v6+s2+$0x0], $0xffff  }
0x6b: {  	v2 =	vld.idx.msk [tilespmem:v7+s2+$0x0], $0xffff;
	[tilespmem:s9+$0x0] =	vst v9  }
0x6c: {  	s10 =	simm.s32 $0x0;
	s16 =	simm.s32 $0x19790;
	v4 =	vld.idx.msk [tilespmem:v8+s2+$0x0], $0xffff;
	[tilespmem:s9+$0xFFFFFFA0] =	vst v10  }
.LBB2_6:
0x6d: {  	v6 =	vld [tilespmem:s16+$0x0];
	s10 =	sadd.s32 $0x8, s10;
	[tilespmem:s9+$0xFFFFFFB0] =	vst v5  }
0x6e: {  	v5 =	vld [tilespmem:s16+$0xFFFFFFA0];
	p2 =	slt.u32 s10, $0xF8;
	[tilespmem:s9+$0xFFFFFFC0] =	vst v3  }
0x6f: {  	v3 =	vld [tilespmem:s16+$0xFFFFFFB0];
	[tilespmem:s9+$0xFFFFFFD0] =	vst v0  }
0x70: {  	v0 =	vld [tilespmem:s16+$0xFFFFFFC0];
	[tilespmem:s9+$0xFFFFFFE0] =	vst v1  }
0x71: {  	v1 =	vld [tilespmem:s16+$0xFFFFFFD0];
	[tilespmem:s9+$0xFFFFFFF0] =	vst v2  }
0x72: {  	v2 =	vld [tilespmem:s16+$0xFFFFFFE0];
	[tilespmem:s9+$0xFFFFFF90] =	vst v4  }
0x73: {  	v4 =	vld [tilespmem:s16+$0xFFFFFFF0]  }
0x74: {  	v7 =	vld [tilespmem:s16+$0xFFFFFF90]  }
0x75: {  	v6 =	vld.idx.msk [tilespmem:v6+s2+$0x0], $0xffff  }
0x76: {  	v8 =	vld.idx.msk [tilespmem:v5+s2+$0x0], $0xffff  }
0x77: {  	v5 =	vld.idx.msk [tilespmem:v3+s2+$0x0], $0xffff  }
.Ltmp1:
0x78: {  	v3 =	vld.idx.msk [tilespmem:v0+s2+$0x0], $0xffff;
	(pc) =	sbr.rel @p2 .LBB2_6-.Ltmp1, $4  }
0x79: {  	v0 =	vld.idx.msk [tilespmem:v1+s2+$0x0], $0xffff  }
0x7a: {  	s9 =	sadd.s32 $0x80, s9;
	v1 =	vld.idx.msk [tilespmem:v2+s2+$0x0], $0xffff  }
0x7b: {  	v2 =	vld.idx.msk [tilespmem:v4+s2+$0x0], $0xffff;
	[tilespmem:s9+$0x0] =	vst v6  }
0x7c: {  	s16 =	sadd.s32 $0x80, s16;
	v4 =	vld.idx.msk [tilespmem:v7+s2+$0x0], $0xffff;
	[tilespmem:s9+$0xFFFFFFA0] =	vst v8  }
0x7d: {  	[tilespmem:s9+$0xFFFFFFB0] =	vst v5  }
0x7e: {  	[tilespmem:s9+$0xFFFFFFC0] =	vst v3  }
0x7f: {  	[tilespmem:s9+$0xFFFFFFD0] =	vst v0  }
0x80: {  	[tilespmem:s9+$0xFFFFFFE0] =	vst v1  }
0x81: {  	[tilespmem:s9+$0xFFFFFFF0] =	vst v2  }
0x82: {  	s8 =	sadd.s32 s8, s12;
	[tilespmem:s9+$0xFFFFFF90] =	vst v4  }
0x83: {  	[hbm4b:s8+s26] =	stream.strided.scatter [tilespmem:s31], [sflag:$0x6], $0x1000, s28, s26, $0x38;
	[tilespmem:$0x1E6A0] =	vst v63  }
0x84: {  	s10 =	sadd.s32 s7, s13  }
0x85: {  	[tilespmem:s22], [sflag:$0x2] =	stream.linear.gather [hbm4b:s10+s2], $0x1000, $0x38;
	[tilespmem:$0x1E6A0] =	vst v63  }
0x86: {  	_ =	swait.ge [sflag:s0], $0x1000  }
0x87: {  	[sflag:s0] =	ssyncset.done $0x0  }
0x88: {  	[sflag:s0] =	ssyncadd.s32 $0xFFFFF000  }
0x89: {  	_ =	swait.ge [sflag:s3], $0x1000  }
0x8a: {  	[sflag:s3] =	ssyncset.done $0x0  }
0x8b: {  	s16 =	simm.s32 $0x1A710;
	[sflag:s3] =	ssyncadd.s32 $0xFFFFF000  }
0x8c: {  	v0 =	vld [tilespmem:s16+$0x0]  }
0x8d: {  	v1 =	vld [tilespmem:s16+$0xFFFFFFA0]  }
0x8e: {  	v2 =	vld [tilespmem:s16+$0xFFFFFFB0]  }
0x8f: {  	v3 =	vld [tilespmem:s16+$0xFFFFFFC0]  }
0x90: {  	v6 =	vld [tilespmem:s16+$0xFFFFFFD0]  }
0x91: {  	v7 =	vld [tilespmem:s16+$0xFFFFFFE0]  }
0x92: {  	v8 =	vld [tilespmem:s16+$0xFFFFFFF0]  }
0x93: {  	v9 =	vld [tilespmem:s16+$0xFFFFFF90]  }
0x94: {  	v10 =	vld.idx.msk [tilespmem:v0+s2+$0x0], $0xffff  }
0x95: {  	v11 =	vld.idx.msk [tilespmem:v1+s2+$0x0], $0xffff  }
0x96: {  	v5 =	vld.idx.msk [tilespmem:v2+s2+$0x0], $0xffff  }
0x97: {  	v4 =	vld.idx.msk [tilespmem:v3+s2+$0x0], $0xffff  }
0x98: {  	v3 =	vld.idx.msk [tilespmem:v6+s2+$0x0], $0xffff  }
0x99: {  	s8 =	simm.s32 $0x1C6E0;
	v1 =	vld.idx.msk [tilespmem:v7+s2+$0x0], $0xffff  }
0x9a: {  	v0 =	vld.idx.msk [tilespmem:v8+s2+$0x0], $0xffff;
	[tilespmem:s8+$0x30] =	vst v10  }
0x9b: {  	s9 =	simm.s32 $0x0;
	s10 =	simm.s32 $0x1A790;
	v2 =	vld.idx.msk [tilespmem:v9+s2+$0x0], $0xffff;
	[tilespmem:s8+$0xFFFFFFD0] =	vst v11  }
.LBB2_8:
0x9c: {  	v6 =	vld [tilespmem:s10+$0x0];
	s9 =	sadd.s32 $0x8, s9;
	[tilespmem:s8+$0xFFFFFFE0] =	vst v5  }
0x9d: {  	v5 =	vld [tilespmem:s10+$0xFFFFFFA0];
	p2 =	slt.u32 s9, $0xF8;
	[tilespmem:s8+$0xFFFFFFF0] =	vst v4  }
0x9e: {  	v4 =	vld [tilespmem:s10+$0xFFFFFFB0];
	[tilespmem:s8+$0x0] =	vst v3  }
0x9f: {  	v3 =	vld [tilespmem:s10+$0xFFFFFFC0];
	[tilespmem:s8+$0x10] =	vst v1  }
0xa0: {  	v1 =	vld [tilespmem:s10+$0xFFFFFFD0];
	[tilespmem:s8+$0x20] =	vst v0  }
0xa1: {  	v0 =	vld [tilespmem:s10+$0xFFFFFFE0];
	[tilespmem:s8+$0xFFFFFFC0] =	vst v2  }
0xa2: {  	v2 =	vld [tilespmem:s10+$0xFFFFFFF0]  }
0xa3: {  	v7 =	vld [tilespmem:s10+$0xFFFFFF90]  }
0xa4: {  	v6 =	vld.idx.msk [tilespmem:v6+s2+$0x0], $0xffff  }
0xa5: {  	v8 =	vld.idx.msk [tilespmem:v5+s2+$0x0], $0xffff  }
0xa6: {  	v5 =	vld.idx.msk [tilespmem:v4+s2+$0x0], $0xffff  }
.Ltmp2:
0xa7: {  	v4 =	vld.idx.msk [tilespmem:v3+s2+$0x0], $0xffff;
	(pc) =	sbr.rel @p2 .LBB2_8-.Ltmp2, $4  }
0xa8: {  	v3 =	vld.idx.msk [tilespmem:v1+s2+$0x0], $0xffff  }
0xa9: {  	s8 =	sadd.s32 $0x80, s8;
	v1 =	vld.idx.msk [tilespmem:v0+s2+$0x0], $0xffff  }
0xaa: {  	v0 =	vld.idx.msk [tilespmem:v2+s2+$0x0], $0xffff;
	[tilespmem:s8+$0x30] =	vst v6  }
0xab: {  	s10 =	sadd.s32 $0x80, s10;
	v2 =	vld.idx.msk [tilespmem:v7+s2+$0x0], $0xffff;
	[tilespmem:s8+$0xFFFFFFD0] =	vst v8  }
0xac: {  	[tilespmem:s8+$0xFFFFFFE0] =	vst v5  }
0xad: {  	[tilespmem:s8+$0xFFFFFFF0] =	vst v4;
	s9 =	sor.u32 $0x2, s6  }
0xae: {  	[tilespmem:s8+$0x0] =	vst v3;
	s10 =	sshll.u32 s9, $0x12  }
0xaf: {  	[tilespmem:s8+$0x10] =	vst v1;
	s10 =	sor.u32 s5, s10  }
0xb0: {  	[tilespmem:s8+$0x20] =	vst v0;
	s10 =	sshrl.u32 s10, $0x3  }
0xb1: {  	p2 =	sgt.u32 s9, $0x15;
	[tilespmem:s8+$0xFFFFFFC0] =	vst v2;
	s10 =	sadd.s32 s1, s10  }
0xb2: {  	[hbm4b:s10+s26] =	stream.strided.scatter [tilespmem:s29], [sflag:$0x5], $0x1000, s28, s26, $0x38;
	[tilespmem:$0x1E6A0] =	vst v63  }
0xb3: {  	s9 =	simm.s32 @!p2 $0x0;
	s8 =	sadd.s32 @!p2 s7, s14;
	s10 =	simm.s32 @!p2 $0x1A6A0  }
0xb4: {  	[tilespmem:s10], [sflag:$0x3] =	stream.linear.gather @!p2 [hbm4b:s8+s9], $0x1000, $0x38;
	[tilespmem:$0x1E6A0] =	vst v63  }
0xb5: {  	_ =	swait.ge [sflag:s19], $0x1000  }
0xb6: {  	[sflag:s19] =	ssyncset.done $0x0  }
0xb7: {  	[sflag:s19] =	ssyncadd.s32 $0xFFFFF000  }
0xb8: {  	_ =	swait.ge [sflag:s23], $0x1000  }
0xb9: {  	[sflag:s23] =	ssyncset.done $0x0  }
0xba: {  	s16 =	simm.s32 $0x1B710;
	[sflag:s23] =	ssyncadd.s32 $0xFFFFF000  }
0xbb: {  	v0 =	vld [tilespmem:s16+$0x0]  }
0xbc: {  	v1 =	vld [tilespmem:s16+$0xFFFFFFA0]  }
0xbd: {  	v2 =	vld [tilespmem:s16+$0xFFFFFFB0]  }
0xbe: {  	v3 =	vld [tilespmem:s16+$0xFFFFFFC0]  }
0xbf: {  	v6 =	vld [tilespmem:s16+$0xFFFFFFD0]  }
0xc0: {  	v7 =	vld [tilespmem:s16+$0xFFFFFFE0]  }
0xc1: {  	v8 =	vld [tilespmem:s16+$0xFFFFFFF0]  }
0xc2: {  	v9 =	vld [tilespmem:s16+$0xFFFFFF90]  }
0xc3: {  	v10 =	vld.idx.msk [tilespmem:v0+s2+$0x0], $0xffff  }
0xc4: {  	v11 =	vld.idx.msk [tilespmem:v1+s2+$0x0], $0xffff  }
0xc5: {  	v5 =	vld.idx.msk [tilespmem:v2+s2+$0x0], $0xffff  }
0xc6: {  	v4 =	vld.idx.msk [tilespmem:v3+s2+$0x0], $0xffff  }
0xc7: {  	v3 =	vld.idx.msk [tilespmem:v6+s2+$0x0], $0xffff  }
0xc8: {  	s8 =	simm.s32 $0x1D710;
	v1 =	vld.idx.msk [tilespmem:v7+s2+$0x0], $0xffff  }
0xc9: {  	v0 =	vld.idx.msk [tilespmem:v8+s2+$0x0], $0xffff;
	[tilespmem:s8+$0x0] =	vst v10  }
0xca: {  	s9 =	simm.s32 $0x0;
	s10 =	simm.s32 $0x1B790;
	v2 =	vld.idx.msk [tilespmem:v9+s2+$0x0], $0xffff;
	[tilespmem:s8+$0xFFFFFFA0] =	vst v11  }
.LBB2_10:
0xcb: {  	v6 =	vld [tilespmem:s10+$0x0];
	s9 =	sadd.s32 $0x8, s9;
	[tilespmem:s8+$0xFFFFFFB0] =	vst v5  }
0xcc: {  	v5 =	vld [tilespmem:s10+$0xFFFFFFA0];
	p2 =	slt.u32 s9, $0xF8;
	[tilespmem:s8+$0xFFFFFFC0] =	vst v4  }
0xcd: {  	v4 =	vld [tilespmem:s10+$0xFFFFFFB0];
	[tilespmem:s8+$0xFFFFFFD0] =	vst v3  }
0xce: {  	v3 =	vld [tilespmem:s10+$0xFFFFFFC0];
	[tilespmem:s8+$0xFFFFFFE0] =	vst v1  }
0xcf: {  	v1 =	vld [tilespmem:s10+$0xFFFFFFD0];
	[tilespmem:s8+$0xFFFFFFF0] =	vst v0  }
0xd0: {  	v0 =	vld [tilespmem:s10+$0xFFFFFFE0];
	[tilespmem:s8+$0xFFFFFF90] =	vst v2  }
0xd1: {  	v2 =	vld [tilespmem:s10+$0xFFFFFFF0]  }
0xd2: {  	v7 =	vld [tilespmem:s10+$0xFFFFFF90]  }
0xd3: {  	v6 =	vld.idx.msk [tilespmem:v6+s2+$0x0], $0xffff  }
0xd4: {  	v8 =	vld.idx.msk [tilespmem:v5+s2+$0x0], $0xffff  }
0xd5: {  	v5 =	vld.idx.msk [tilespmem:v4+s2+$0x0], $0xffff  }
.Ltmp3:
0xd6: {  	v4 =	vld.idx.msk [tilespmem:v3+s2+$0x0], $0xffff;
	(pc) =	sbr.rel @p2 .LBB2_10-.Ltmp3, $4  }
0xd7: {  	v3 =	vld.idx.msk [tilespmem:v1+s2+$0x0], $0xffff  }
0xd8: {  	s8 =	sadd.s32 $0x80, s8;
	v1 =	vld.idx.msk [tilespmem:v0+s2+$0x0], $0xffff  }
0xd9: {  	v0 =	vld.idx.msk [tilespmem:v2+s2+$0x0], $0xffff;
	[tilespmem:s8+$0x0] =	vst v6  }
0xda: {  	s10 =	sadd.s32 $0x80, s10;
	v2 =	vld.idx.msk [tilespmem:v7+s2+$0x0], $0xffff;
	[tilespmem:s8+$0xFFFFFFA0] =	vst v8  }
0xdb: {  	[tilespmem:s8+$0xFFFFFFB0] =	vst v5  }
0xdc: {  	[tilespmem:s8+$0xFFFFFFC0] =	vst v4;
	s6 =	sor.u32 $0x3, s6  }
0xdd: {  	[tilespmem:s8+$0xFFFFFFD0] =	vst v3;
	s9 =	sshll.u32 s6, $0x12  }
0xde: {  	[tilespmem:s8+$0xFFFFFFE0] =	vst v1;
	s9 =	sor.u32 s5, s9  }
0xdf: {  	[tilespmem:s8+$0xFFFFFFF0] =	vst v0;
	s9 =	sshrl.u32 s9, $0x3  }
0xe0: {  	s4 =	sadd.s32 $0x1, s4;
	p2 =	sgt.u32 s6, $0x15;
	[tilespmem:s8+$0xFFFFFF90] =	vst v2;
	s16 =	sadd.s32 s1, s9  }
0xe1: {  	[hbm4b:s16+s26] =	stream.strided.scatter [tilespmem:s31], [sflag:$0x6], $0x1000, s28, s26, $0x38;
	[tilespmem:$0x1E6A0] =	vst v63  }
0xe2: {  	s6 =	sadd.s32 @!p2 s7, s15;
	s7 =	simm.s32 @!p2 $0x0;
	s8 =	simm.s32 @!p2 $0x1B6A0  }
0xe3: {  	[tilespmem:s8], [sflag:$0x4] =	stream.linear.gather @!p2 [hbm4b:s6+s7], $0x1000, $0x38;
	[tilespmem:$0x1E6A0] =	vst v63  }
0xe4: {  	p2 =	sne.s32 s4, $0x6  }
.Ltmp4:
0xe5: {  	_ = 	snop;
	(pc) =	sbr.rel @p2 .LBB2_3-.Ltmp4, $1  }
0xe6: {  	_ =	sdelay $0x3  }
0xe7: {  	_ =	swait.ge [sflag:s25], $0x1000  }
0xe8: {  	[sflag:s25] =	ssyncset.done $0x0  }
0xe9: {  	[sflag:s25] =	ssyncadd.s32 $0xFFFFF000  }
0xea: {  	_ =	swait.ge [sflag:s3], $0x1000  }
0xeb: {  	[sflag:s3] =	ssyncset.done $0x0  }
0xec: {  	s4 =	simm.s32 $0x186E0;
	[sflag:s3] =	ssyncadd.s32 $0xFFFFF000  }
0xed: {  	v0 =	vld [tilespmem:s4+$0x30]  }
0xee: {  	v1 =	vld [tilespmem:s4+$0xFFFFFFD0]  }
0xef: {  	v2 =	vld [tilespmem:s4+$0xFFFFFFE0]  }
0xf0: {  	v3 =	vld [tilespmem:s4+$0xFFFFFFF0]  }
0xf1: {  	v6 =	vld [tilespmem:s4+$0x0]  }
0xf2: {  	v7 =	vld [tilespmem:s4+$0x10]  }
0xf3: {  	v8 =	vld [tilespmem:s4+$0x20]  }
0xf4: {  	v9 =	vld [tilespmem:s4+$0xFFFFFFC0]  }
0xf5: {  	v10 =	vld.idx.msk [tilespmem:v0+s2+$0x0], $0xffff  }
0xf6: {  	v11 =	vld.idx.msk [tilespmem:v1+s2+$0x0], $0xffff  }
0xf7: {  	v5 =	vld.idx.msk [tilespmem:v2+s2+$0x0], $0xffff  }
0xf8: {  	v4 =	vld.idx.msk [tilespmem:v3+s2+$0x0], $0xffff  }
0xf9: {  	v1 =	vld.idx.msk [tilespmem:v6+s2+$0x0], $0xffff  }
0xfa: {  	s5 =	simm.s32 $0x1C6E0;
	v2 =	vld.idx.msk [tilespmem:v7+s2+$0x0], $0xffff  }
0xfb: {  	v0 =	vld.idx.msk [tilespmem:v8+s2+$0x0], $0xffff;
	[tilespmem:s5+$0x30] =	vst v10  }
0xfc: {  	s6 =	simm.s32 $0x18760;
	s4 =	simm.s32 $0x0;
	v3 =	vld.idx.msk [tilespmem:v9+s2+$0x0], $0xffff;
	[tilespmem:s5+$0xFFFFFFD0] =	vst v11  }
.LBB2_13:
0xfd: {  	v6 =	vld [tilespmem:s6+$0x30];
	s4 =	sadd.s32 $0x8, s4;
	[tilespmem:s5+$0xFFFFFFE0] =	vst v5  }
0xfe: {  	v5 =	vld [tilespmem:s6+$0xFFFFFFD0];
	p1 =	slt.u32 s4, $0xF8;
	[tilespmem:s5+$0xFFFFFFF0] =	vst v4  }
0xff: {  	v4 =	vld [tilespmem:s6+$0xFFFFFFE0];
	[tilespmem:s5+$0x0] =	vst v1  }
0x100: {  	v1 =	vld [tilespmem:s6+$0xFFFFFFF0];
	[tilespmem:s5+$0x10] =	vst v2  }
0x101: {  	v2 =	vld [tilespmem:s6+$0x0];
	[tilespmem:s5+$0x20] =	vst v0  }
0x102: {  	v0 =	vld [tilespmem:s6+$0x10];
	[tilespmem:s5+$0xFFFFFFC0] =	vst v3  }
0x103: {  	v3 =	vld [tilespmem:s6+$0x20]  }
0x104: {  	v7 =	vld [tilespmem:s6+$0xFFFFFFC0]  }
0x105: {  	v6 =	vld.idx.msk [tilespmem:v6+s2+$0x0], $0xffff  }
0x106: {  	v8 =	vld.idx.msk [tilespmem:v5+s2+$0x0], $0xffff  }
0x107: {  	v5 =	vld.idx.msk [tilespmem:v4+s2+$0x0], $0xffff  }
.Ltmp5:
0x108: {  	v4 =	vld.idx.msk [tilespmem:v1+s2+$0x0], $0xffff;
	(pc) =	sbr.rel @p1 .LBB2_13-.Ltmp5, $4  }
0x109: {  	v1 =	vld.idx.msk [tilespmem:v2+s2+$0x0], $0xffff  }
0x10a: {  	s5 =	sadd.s32 $0x80, s5;
	v2 =	vld.idx.msk [tilespmem:v0+s2+$0x0], $0xffff  }
0x10b: {  	v0 =	vld.idx.msk [tilespmem:v3+s2+$0x0], $0xffff;
	[tilespmem:s5+$0x30] =	vst v6  }
0x10c: {  	s6 =	sadd.s32 $0x80, s6;
	v3 =	vld.idx.msk [tilespmem:v7+s2+$0x0], $0xffff;
	[tilespmem:s5+$0xFFFFFFD0] =	vst v8  }
0x10d: {  	[tilespmem:s5+$0xFFFFFFE0] =	vst v5  }
0x10e: {  	[tilespmem:s5+$0xFFFFFFF0] =	vst v4  }
0x10f: {  	[tilespmem:s5+$0x0] =	vst v1  }
0x110: {  	[tilespmem:s5+$0x10] =	vst v2  }
0x111: {  	[tilespmem:s5+$0x20] =	vst v0  }
0x112: {  	s4 =	sshll.u32 s24, $0x4;
	s6 =	rddreg [dreg:$0xa]  }
0x113: {  	s4 =	sor.u32 s6, s4  }
0x114: {  	[tilespmem:s5+$0xFFFFFFC0] =	vst v3;
	s16 =	sadd.s32 s4, s17  }
0x115: {  	[hbm4b:s16+s26] =	stream.strided.scatter [tilespmem:s29], [sflag:$0x5], $0x1000, s28, s26, $0x38;
	[tilespmem:$0x1E6A0] =	vst v63  }
0x116: {  	_ =	swait.ge [sflag:s30], $0x1000  }
0x117: {  	[sflag:s30] =	ssyncset.done $0x0  }
0x118: {  	[sflag:s30] =	ssyncadd.s32 $0xFFFFF000  }
0x119: {  	_ =	swait.ge [sflag:s23], $0x1000  }
0x11a: {  	[sflag:s23] =	ssyncset.done $0x0  }
0x11b: {  	s24 =	simm.s32 $0x19710;
	[sflag:s23] =	ssyncadd.s32 $0xFFFFF000  }
0x11c: {  	v0 =	vld [tilespmem:s24+$0x0]  }
0x11d: {  	v1 =	vld [tilespmem:s24+$0xFFFFFFA0]  }
0x11e: {  	v2 =	vld [tilespmem:s24+$0xFFFFFFB0]  }
0x11f: {  	v3 =	vld [tilespmem:s24+$0xFFFFFFC0]  }
0x120: {  	v4 =	vld [tilespmem:s24+$0xFFFFFFD0]  }
0x121: {  	v6 =	vld [tilespmem:s24+$0xFFFFFFE0]  }
0x122: {  	v7 =	vld [tilespmem:s24+$0xFFFFFFF0]  }
0x123: {  	v8 =	vld [tilespmem:s24+$0xFFFFFF90]  }
0x124: {  	v9 =	vld.idx.msk [tilespmem:v0+s2+$0x0], $0xffff  }
0x125: {  	v10 =	vld.idx.msk [tilespmem:v1+s2+$0x0], $0xffff  }
0x126: {  	v5 =	vld.idx.msk [tilespmem:v2+s2+$0x0], $0xffff  }
0x127: {  	v3 =	vld.idx.msk [tilespmem:v3+s2+$0x0], $0xffff  }
0x128: {  	v0 =	vld.idx.msk [tilespmem:v4+s2+$0x0], $0xffff  }
0x129: {  	s5 =	simm.s32 $0x1D710;
	v1 =	vld.idx.msk [tilespmem:v6+s2+$0x0], $0xffff  }
0x12a: {  	v2 =	vld.idx.msk [tilespmem:v7+s2+$0x0], $0xffff;
	[tilespmem:s5+$0x0] =	vst v9  }
0x12b: {  	s7 =	simm.s32 $0x19790;
	s6 =	simm.s32 $0x0;
	v4 =	vld.idx.msk [tilespmem:v8+s2+$0x0], $0xffff;
	[tilespmem:s5+$0xFFFFFFA0] =	vst v10  }
.LBB2_15:
0x12c: {  	v6 =	vld [tilespmem:s7+$0x0];
	s6 =	sadd.s32 $0x8, s6;
	[tilespmem:s5+$0xFFFFFFB0] =	vst v5  }
0x12d: {  	v5 =	vld [tilespmem:s7+$0xFFFFFFA0];
	p1 =	slt.u32 s6, $0xF8;
	[tilespmem:s5+$0xFFFFFFC0] =	vst v3  }
0x12e: {  	v3 =	vld [tilespmem:s7+$0xFFFFFFB0];
	[tilespmem:s5+$0xFFFFFFD0] =	vst v0  }
0x12f: {  	v0 =	vld [tilespmem:s7+$0xFFFFFFC0];
	[tilespmem:s5+$0xFFFFFFE0] =	vst v1  }
0x130: {  	v1 =	vld [tilespmem:s7+$0xFFFFFFD0];
	[tilespmem:s5+$0xFFFFFFF0] =	vst v2  }
0x131: {  	v2 =	vld [tilespmem:s7+$0xFFFFFFE0];
	[tilespmem:s5+$0xFFFFFF90] =	vst v4  }
0x132: {  	v4 =	vld [tilespmem:s7+$0xFFFFFFF0]  }
0x133: {  	v7 =	vld [tilespmem:s7+$0xFFFFFF90]  }
0x134: {  	v6 =	vld.idx.msk [tilespmem:v6+s2+$0x0], $0xffff  }
0x135: {  	v8 =	vld.idx.msk [tilespmem:v5+s2+$0x0], $0xffff  }
0x136: {  	v5 =	vld.idx.msk [tilespmem:v3+s2+$0x0], $0xffff  }
.Ltmp6:
0x137: {  	v3 =	vld.idx.msk [tilespmem:v0+s2+$0x0], $0xffff;
	(pc) =	sbr.rel @p1 .LBB2_15-.Ltmp6, $4  }
0x138: {  	v0 =	vld.idx.msk [tilespmem:v1+s2+$0x0], $0xffff  }
0x139: {  	s5 =	sadd.s32 $0x80, s5;
	v1 =	vld.idx.msk [tilespmem:v2+s2+$0x0], $0xffff  }
0x13a: {  	v2 =	vld.idx.msk [tilespmem:v4+s2+$0x0], $0xffff;
	[tilespmem:s5+$0x0] =	vst v6  }
0x13b: {  	s7 =	sadd.s32 $0x80, s7;
	v4 =	vld.idx.msk [tilespmem:v7+s2+$0x0], $0xffff;
	[tilespmem:s5+$0xFFFFFFA0] =	vst v8  }
0x13c: {  	[tilespmem:s5+$0xFFFFFFB0] =	vst v5  }
0x13d: {  	[tilespmem:s5+$0xFFFFFFC0] =	vst v3  }
0x13e: {  	[tilespmem:s5+$0xFFFFFFD0] =	vst v0  }
.Ltmp7:
0x13f: {  	[tilespmem:s5+$0xFFFFFFE0] =	vst v1;
	(pc) =	sbr.rel @p0 .LBB2_2-.Ltmp7, $4  }
0x140: {  	[tilespmem:s5+$0xFFFFFFF0] =	vst v2  }
0x141: {  	s4 =	sadd.s32 s4, s18;
	[tilespmem:s5+$0xFFFFFF90] =	vst v4  }
0x142: {  	[hbm4b:s4+s26] =	stream.strided.scatter [tilespmem:s31], [sflag:$0x6], $0x1000, s28, s26, $0x38;
	[tilespmem:$0x1E6A0] =	vst v63  }
0x143: {  	p2 =	por $0x0, $0x0;
	p1 =	por $0x1, $0x1;
	s4 =	simm.s32 $0x1  }
0x144: {  	_ =	swait.ge [sflag:s3], $0x1000  }
0x145: {  	[sflag:s3] =	ssyncset.done $0x0  }
0x146: {  	[sflag:s3] =	ssyncadd.s32 $0xFFFFF000  }
0x147: {  	_ =	swait.ge [sflag:s23], $0x1000  }
0x148: {  	s5 =	rddreg [dreg:$0xc]  }
0x149: {  	s4 =	rddreg [dreg:$0xb];
	s5 =	sadd.s32 $0x1, s5  }
0x14a: {  	p0 =	sne.s32 s5, s4  }
.Ltmp8:
0x14b: {  	_ = 	snop;
	(pc) =	sbr.rel @p0 .LBB2_1-.Ltmp8, $3  }
0x14c: {  	_ =	sdelay $0x1  }
0x14d: {  	[sflag:s23] =	ssyncset.done $0x0  }
0x14e: {  	[sflag:s23] =	ssyncadd.s32 $0xFFFFF000  }
0x14f: {  	_ =	sfence.sel $0x180000  }
0x150: {  	[bflag:$0x0] =	sbarrier.arrive $0xFFFF  }
0x151: {  	_ =	strace $0x90000047  }
0x152: {  	s0 =	stileid.u32;
	[bflag:$0x2] =	sbarrier.arrive $0xFFFF  }
0x153: {  	p0 =	sne.s32 s0, $0x0;
	s0 =	rddreg [dreg:$0x2]  }
0x154: {  	s0 =	sadd.s32 @!p0 $0x100000, s0  }
0x155: {  	[sflag:s0] =	ssyncadd.tile.s32 @!p0 $0x1;
	_ =	shalt  }
.Lfunc_end2:
_tile_overlayer_lowered:
.L_overlay_start_2:
0x156: {  	(tag) =	ssettag $0x2  }
0x157: {  	s0 =	rddreg [dreg:$0x0];
	s2 =	stileid.u32  }
0x158: {  	s1 =	rddreg [dreg:$0x1];
	p0 =	sne.s32 s2, $0x0  }
0x159: {  	s3 =	rddreg [dreg:$0x2];
	[bflag:$0x3] =	sbarrier.arrive $0xFFFF;
	s2 =	simm.s32 @!p0 $0x1C07  }
0x15a: {  	[timem:s3], [sflag:s2] =	dma.local @!p0 [hbm:s0], s1  }
0x15b: {  	s0 =	simm.s32 @!p0 $0x7  }
0x15c: {  	_ =	swait.ge @!p0 [sflag:s0], s1  }
0x15d: {  	s1 =	ssub.s32 @!p0 $0x0, s1;
	[sflag:s0] =	ssyncset.done @!p0 $0x0  }
0x15e: {  	[sflag:s0] =	ssyncadd.s32 @!p0 s1  }
0x15f: {  	[bflag:$0x3] =	sbarrier.arrive $0xFFFF  }
0x160: {  	_ =	shalt  }

</sc_bundles>
